<compile_context>
chip_gen: v7x
topology: tpu7x:2x2x1
jax: 0.10.2.dev20260603
libtpu: 0.0.44.dev20260713+nightly
codegen_flags: <defaults>
</compile_context>

<pallas_src>
import functools

import jax
import jax.numpy as jnp
from jax import lax
from jax.experimental import pallas as pl
from jax.experimental.pallas import tpu as pltpu
from jax.experimental.pallas import tpu_sc as plsc

_D = 128
_G = 256
_NW = 32
_NSUB = 16
_CHUNK = 128
_IDXW = 8


@functools.lru_cache(maxsize=None)
def _make_agg(n_pad: int, cpw: int):
    rows_per_tile = n_pad // _NSUB
    mesh = plsc.VectorSubcoreMesh(core_axis_name="c", subcore_axis_name="s")

    assert cpw % _IDXW == 0
    nwin = cpw // _IDXW

    @functools.partial(
        pl.kernel,
        out_type=jax.ShapeDtypeStruct((2, n_pad, _D), jnp.float32),
        mesh=mesh,
        scratch_types=[
            pltpu.VMEM((_IDXW, _CHUNK), jnp.int32),
            pltpu.VMEM((_IDXW, _CHUNK), jnp.int32),
            pltpu.VMEM((_CHUNK, _D), jnp.float32),
            pltpu.VMEM((_CHUNK, _D), jnp.float32),
            pltpu.VMEM_SHARED((n_pad, _D), jnp.float32),
            pltpu.SemaphoreType.DMA,
        ],
    )
    def agg_kernel(h_hbm, src_hbm, dst_hbm, zero_hbm, out_hbm,
                   src_v, dst_v, buf0, buf1, agg_sh, gsem):
        c = lax.axis_index("c")
        s = lax.axis_index("s")
        wid = s * 2 + c

        pltpu.sync_copy(zero_hbm, agg_sh.at[pl.ds(s * rows_per_tile, rows_per_tile)])
        plsc.subcore_barrier()

        def window(w, carry):
            base = w * _IDXW
            pltpu.sync_copy(src_hbm.at[wid, pl.ds(base, _IDXW)], src_v)
            pltpu.sync_copy(dst_hbm.at[wid, pl.ds(base, _IDXW)], dst_v)

            pltpu.async_copy(h_hbm.at[src_v.at[0]], buf0, gsem)

            def body(jj, carry2):
                j0 = jj * 2
                pltpu.make_async_copy(h_hbm.at[src_v.at[j0]], buf0, gsem).wait()
                pltpu.async_copy(h_hbm.at[src_v.at[j0 + 1]], buf1, gsem)
                pltpu.sync_copy(buf0, agg_sh.at[dst_v.at[j0]], add=True)
                pltpu.make_async_copy(h_hbm.at[src_v.at[j0 + 1]], buf1, gsem).wait()

                @pl.when(j0 + 2 < _IDXW)
                def _():
                    pltpu.async_copy(h_hbm.at[src_v.at[j0 + 2]], buf0, gsem)

                pltpu.sync_copy(buf1, agg_sh.at[dst_v.at[j0 + 1]], add=True)
                return carry2

            lax.fori_loop(0, _IDXW // 2, body, 0)
            return carry

        lax.fori_loop(0, nwin, window, 0)
        plsc.subcore_barrier()
        pltpu.sync_copy(agg_sh.at[pl.ds(s * rows_per_tile, rows_per_tile)],
                        out_hbm.at[c, pl.ds(s * rows_per_tile, rows_per_tile)])

    return agg_kernel


def _edge_ranks(owner, cap, block_rows=512):
    e = owner.shape[0]
    nblk = -(-e // block_rows)
    e_pad = nblk * block_rows
    owner3 = jnp.concatenate(
        [owner, jnp.full((e_pad - e,), _NW, jnp.int32)]).reshape(nblk, 1, block_rows)

    def body(o_ref, pos_ref, carry):
        i = pl.program_id(0)

        @pl.when(i == 0)
        def _():
            carry[...] = jnp.zeros_like(carry)

        ob = o_ref[0, 0, :]
        oh = (ob[:, None] == lax.broadcasted_iota(
            jnp.int32, (block_rows, _NW), 1)).astype(jnp.float32)
        r = lax.broadcasted_iota(jnp.int32, (block_rows, block_rows), 0)
        c = lax.broadcasted_iota(jnp.int32, (block_rows, block_rows), 1)
        ltri = (c < r).astype(jnp.float32)
        excl = jnp.dot(ltri, oh, preferred_element_type=jnp.float32)
        rank = jnp.sum((excl + carry[0:1, :]) * oh, axis=1)
        pos = jnp.where(rank < cap,
                        ob.astype(jnp.float32) * cap + rank,
                        float(_NW * cap - 1))
        pos_ref[0, 0, :] = pos.astype(jnp.int32)
        carry[...] += jnp.sum(oh, axis=0)[None, :]

    pos = pl.pallas_call(
        body,
        grid=(nblk,),
        in_specs=[pl.BlockSpec((1, 1, block_rows), lambda i: (i, 0, 0))],
        out_specs=pl.BlockSpec((1, 1, block_rows), lambda i: (i, 0, 0)),
        out_shape=jax.ShapeDtypeStruct((nblk, 1, block_rows), jnp.int32),
        scratch_shapes=[pltpu.VMEM((8, _NW), jnp.float32)],
    )(owner3)
    return pos.reshape(e_pad)[:e]


def _mlp_layer(h, agg2, w1, b1, w2, b2, block_rows):
    n = h.shape[0]
    nblk = n // block_rows

    def body(h_ref, a0_ref, a1_ref, w1_ref, b1_ref, w2_ref, b2_ref, o_ref):
        hb = h_ref[...]
        z = hb + a0_ref[0] + a1_ref[0]
        t = jnp.dot(z, w1_ref[...], preferred_element_type=jnp.float32) + b1_ref[...]
        t = jnp.maximum(t, 0.0)
        o_ref[...] = hb + jnp.dot(t, w2_ref[...],
                                  preferred_element_type=jnp.float32) + b2_ref[...]

    return pl.pallas_call(
        body,
        grid=(nblk,),
        in_specs=[
            pl.BlockSpec((block_rows, _D), lambda i: (i, 0)),
            pl.BlockSpec((1, block_rows, _D), lambda i: (0, i, 0)),
            pl.BlockSpec((1, block_rows, _D), lambda i: (1, i, 0)),
            pl.BlockSpec((_D, _D), lambda i: (0, 0)),
            pl.BlockSpec((_D,), lambda i: (0,)),
            pl.BlockSpec((_D, _D), lambda i: (0, 0)),
            pl.BlockSpec((_D,), lambda i: (0,)),
        ],
        out_specs=pl.BlockSpec((block_rows, _D), lambda i: (i, 0)),
        out_shape=jax.ShapeDtypeStruct((n, _D), jnp.float32),
    )(h, agg2, agg2, w1, b1, w2, b2)


def _pool_head(h, batch, wf1, bf1, wf2, bf2, block_rows):
    n = h.shape[0]
    nblk = n // block_rows
    batch3 = batch.reshape(nblk, 1, block_rows)
    wf2p = jnp.zeros((_D, 128), jnp.float32).at[:, :1].set(wf2)
    bf2p = jnp.zeros((128,), jnp.float32).at[0].set(bf2[0])

    def body(b_ref, h_ref, wf1_ref, bf1_ref, wf2_ref, bf2_ref, o_ref, sums, cnts):
        i = pl.program_id(0)

        @pl.when(i == 0)
        def _():
            sums[...] = jnp.zeros_like(sums)
            cnts[...] = jnp.zeros_like(cnts)

        b = b_ref[0, 0, :]
        oh_t = (b[None, :] == lax.broadcasted_iota(
            jnp.int32, (_G, block_rows), 0)).astype(jnp.float32)
        sums[...] += jnp.dot(oh_t, h_ref[...], preferred_element_type=jnp.float32,
                             precision=lax.Precision.HIGHEST)
        cnts[...] += jnp.dot(oh_t, jnp.ones((block_rows, _D), jnp.float32),
                             preferred_element_type=jnp.float32)

        @pl.when(i == nblk - 1)
        def _():
            pooled = sums[...] / jnp.maximum(cnts[...], 1.0)
            f = jnp.dot(pooled, wf1_ref[...],
                        preferred_element_type=jnp.float32) + bf1_ref[...]
            f = jnp.where(f >= 0.0, f, 0.01 * f)
            o_ref[...] = jnp.dot(f, wf2_ref[...],
                                 preferred_element_type=jnp.float32) + bf2_ref[...]

    out = pl.pallas_call(
        body,
        grid=(nblk,),
        in_specs=[
            pl.BlockSpec((1, 1, block_rows), lambda i: (i, 0, 0)),
            pl.BlockSpec((block_rows, _D), lambda i: (i, 0)),
            pl.BlockSpec((_D, _D), lambda i: (0, 0)),
            pl.BlockSpec((_D,), lambda i: (0,)),
            pl.BlockSpec((_D, 128), lambda i: (0, 0)),
            pl.BlockSpec((128,), lambda i: (0,)),
        ],
        out_specs=pl.BlockSpec((_G, 128), lambda i: (0, 0)),
        out_shape=jax.ShapeDtypeStruct((_G, 128), jnp.float32),
        scratch_shapes=[
            pltpu.VMEM((_G, _D), jnp.float32),
            pltpu.VMEM((_G, _D), jnp.float32),
        ],
    )(batch3, h, wf1, bf1, wf2p, bf2p)
    return out[:, :1]


def kernel(x, edge_index, batch,
           W1_0, b1_0, W2_0, b2_0,
           W1_1, b1_1, W2_1, b2_1,
           W1_2, b1_2, W2_2, b2_2,
           Wf1, bf1, Wf2, bf2):
    n, d = x.shape
    e = edge_index.shape[1]
    assert d == _D

    n_pad = -(-(n + 1) // (_NW * 8)) * (_NW * 8)
    rows_per_owner = -(-n // _NW)
    trash = n_pad - n
    cpw = -(-(-(-e // (_NW * _CHUNK)) + 8) // _IDXW) * _IDXW
    cap = cpw * _CHUNK
    total = _NW * cap

    owner = edge_index[1] // rows_per_owner
    pos = _edge_ranks(owner, cap)
    tpw = max(1, trash // _NW)
    flat = jnp.arange(total, dtype=jnp.int32)
    pad_src = flat % n
    pad_dst = n + (flat // cap) * tpw + flat % tpw
    srcp = pad_src.at[pos].set(edge_index[0], mode="promise_in_bounds",
                               unique_indices=True).reshape(_NW, cpw, _CHUNK)
    dstp = pad_dst.at[pos].set(edge_index[1], mode="promise_in_bounds",
                               unique_indices=True).reshape(_NW, cpw, _CHUNK)
    zrows = jnp.zeros((n_pad // _NSUB, _D), jnp.float32)

    agg_fn = _make_agg(n_pad, cpw)
    params = [(W1_0, b1_0, W2_0, b2_0),
              (W1_1, b1_1, W2_1, b2_1),
              (W1_2, b1_2, W2_2, b2_2)]

    h = x
    for (w1, b1, w2, b2) in params:
        agg2 = agg_fn(h, srcp, dstp, zrows)
        h = _mlp_layer(h, agg2, w1, b1, w2, b2, block_rows=1000)

    return _pool_head(h, batch, Wf1, bf1, Wf2, bf2, block_rows=1000)

# --- scband reference (transcript-rebuilt; emitter-appended) ---
"""Pipeline reference for scband-discriminator-82068235092697 (READ-ONLY COPY).

The authoritative reference and input builder live on the scoring server;
editing this copy changes nothing except your own understanding.
"""

import jax, jax.numpy as jnp
import numpy as np

N = 10000
E = 320000
D = 128
H = 128
G = 256
L = 3

def setup_inputs(seed: int = 0) -> dict:
    key = jax.random.key(seed)
    ks = jax.random.split(key, 4 * L + 8)
    inp = {}
    inp["x"] = jax.random.normal(ks[0], (N, D), dtype=jnp.float32)
    inp["edge_index"] = jax.random.randint(ks[1], (2, E), 0, N, dtype=jnp.int32)
    inp["batch"] = jnp.sort(jax.random.randint(ks[2], (N,), 0, G, dtype=jnp.int32))
    s = 0.05
    idx = 3
    for i in range(L):
        din = D if i == 0 else H
        inp[f"W1_{i}"] = jax.random.normal(ks[idx], (din, H), dtype=jnp.float32) * s; idx += 1
        inp[f"b1_{i}"] = jnp.zeros((H,), dtype=jnp.float32)
        inp[f"W2_{i}"] = jax.random.normal(ks[idx], (H, H), dtype=jnp.float32) * s; idx += 1
        inp[f"b2_{i}"] = jnp.zeros((H,), dtype=jnp.float32)
    inp["Wf1"] = jax.random.normal(ks[idx], (H, H), dtype=jnp.float32) * s; idx += 1
    inp["bf1"] = jnp.zeros((H,), dtype=jnp.float32)
    inp["Wf2"] = jax.random.normal(ks[idx], (H, 1), dtype=jnp.float32) * s; idx += 1
    inp["bf2"] = jnp.zeros((1,), dtype=jnp.float32)
    return inp


def reference(x, edge_index, batch,
              W1_0, b1_0, W2_0, b2_0,
              W1_1, b1_1, W2_1, b2_1,
              W1_2, b1_2, W2_2, b2_2,
              Wf1, bf1, Wf2, bf2):
    src = edge_index[0]
    dst = edge_index[1]
    params = [(W1_0, b1_0, W2_0, b2_0), (W1_1, b1_1, W2_1, b2_1), (W1_2, b1_2, W2_2, b2_2)]
    h = x
    for (W1, b1, W2, b2) in params:
        # GIN aggregation: sum of neighbor features (scatter-add over dst), eps=0
        agg = jnp.zeros_like(h).at[dst].add(h[src])
        z = h + agg  # (1 + eps) * h + agg with eps = 0
        z = jax.nn.relu(z @ W1 + b1)
        z = z @ W2 + b2
        h = h + z  # residual (input_dim == hidden_dim so identity skip)
    # global mean pool over batch assignment
    ones = jnp.ones((h.shape[0],), dtype=h.dtype)
    counts = jax.ops.segment_sum(ones, batch, num_segments=G)
    sums = jax.ops.segment_sum(h, batch, num_segments=G)
    pooled = sums / jnp.clip(counts, 1.0, None)[:, None]
    # fc head: Linear -> LeakyReLU -> Linear
    f = jax.nn.leaky_relu(pooled @ Wf1 + bf1, negative_slope=0.01)
    out = f @ Wf2 + bf2
    return out

if __name__ == "__main__":
    import jax
    _d = setup_inputs()
    print(jax.jit(kernel)(*tuple(_d.values())))

</pallas_src>

<mosaic_0001>
#map = affine_map<(d0, d1) -> (0, 0)>
#map1 = affine_map<(d0, d1) -> (0, 0, 0)>
module attributes {stable_mosaic.version = 14 : i64} {
  func.func @agg_kernel(%arg0: i32, %arg1: i32, %arg2: memref<10000x128xf32, #tpu.memory_space<hbm>>, %arg3: memref<32x88x128xi32, #tpu.memory_space<hbm>>, %arg4: memref<32x88x128xi32, #tpu.memory_space<hbm>>, %arg5: memref<640x128xf32, #tpu.memory_space<hbm>>, %arg6: memref<2x10240x128xf32, #tpu.memory_space<hbm>>, %arg7: memref<8x128xi32, #tpu.memory_space<vmem>>, %arg8: memref<8x128xi32, #tpu.memory_space<vmem>>, %arg9: memref<128x128xf32, #tpu.memory_space<vmem>>, %arg10: memref<128x128xf32, #tpu.memory_space<vmem>>, %arg11: memref<10240x128xf32, #tpu.memory_space<vmem_shared>>, %arg12: memref<!tpu.dma_semaphore, #tpu.memory_space<semaphore_mem>>) attributes {dimension_semantics = [#tpu.dimension_semantics<core_parallel>, #tpu.dimension_semantics<subcore_parallel>], iteration_bounds = array<i64: 2, 16>, scalar_prefetch = 0 : i64, scratch_operands = 6 : i64, tpu.core_type = #tpu.core_type<sc_vector_subcore>, window_params = [{transform_indices = #map}, {transform_indices = #map1}, {transform_indices = #map1}, {transform_indices = #map}, {transform_indices = #map1}]} {
    %mul3A = arith.constant 2 : i32
    %mul3A_0 = arith.muli %arg1, %mul3A : i32
    %add3A = arith.addi %mul3A_0, %arg0 : i32
    %mul3A_1 = arith.constant 640 : i32
    %mul3A_2 = arith.muli %arg1, %mul3A_1 : i32
    "tpu.region"() ({
      %run_scoped3A = tpu.sem_alloc : memref<!tpu.dma_semaphore, #tpu.memory_space<semaphore_mem>>
      %dma_start3A = arith.constant 0 : i32
      %dma_start3A_13 = tpu.memref_slice %arg11[%mul3A_2, %dma_start3A] : memref<10240x128xf32, #tpu.memory_space<vmem_shared>> -> memref<640x128xf32, #tpu.memory_space<vmem_shared>>
      tpu.enqueue_dma source(%arg5 : memref<640x128xf32, #tpu.memory_space<hbm>>) target(%dma_start3A_13 : memref<640x128xf32, #tpu.memory_space<vmem_shared>>) target_semaphore(%run_scoped3A : memref<!tpu.dma_semaphore, #tpu.memory_space<semaphore_mem>>)
      %dma_wait3A = arith.constant 0 : i32
      %dma_wait3A_14 = tpu.memref_slice %arg11[%mul3A_2, %dma_wait3A] : memref<10240x128xf32, #tpu.memory_space<vmem_shared>> -> memref<640x128xf32, #tpu.memory_space<vmem_shared>>
      tpu.wait_dma2 semaphore(%run_scoped3A : memref<!tpu.dma_semaphore, #tpu.memory_space<semaphore_mem>>) src(%arg5 : memref<640x128xf32, #tpu.memory_space<hbm>>) dst(%dma_wait3A_14 : memref<640x128xf32, #tpu.memory_space<vmem_shared>>)
      tpu.yield
    }) : () -> ()
    %barrier3A = arith.constant 0 : index
    tpu.barrier barrier_id(%barrier3A)
    %scan3A = arith.constant 0 : i32
    %scan3A_3 = arith.constant 0 : i32
    %scan3A_4 = arith.constant 11 : i32
    %scan3A_5 = arith.addi %scan3A_3, %scan3A_4 : i32
    %scan3A_6 = arith.constant 1 : i32
    scf.for %scan3A_13 = %scan3A_3 to %scan3A_5 step %scan3A_6  : i32 {
      %mul3A_14 = arith.constant 8 : i32
      %mul3A_15 = arith.muli %scan3A_13, %mul3A_14 : i32
      "tpu.region"() ({
        %run_scoped3A = tpu.sem_alloc : memref<!tpu.dma_semaphore, #tpu.memory_space<semaphore_mem>>
        %dma_start3A_28 = arith.constant 0 : i32
        %dma_start3A_29 = tpu.memref_slice %arg3[%add3A, %mul3A_15, %dma_start3A_28] : memref<32x88x128xi32, #tpu.memory_space<hbm>> -> memref<1x8x128xi32, #tpu.memory_space<hbm>>
        %dma_start3A_30 = tpu.memref_squeeze %dma_start3A_29 : memref<1x8x128xi32, #tpu.memory_space<hbm>> -> memref<8x128xi32, #tpu.memory_space<hbm>>
        %dma_start3A_31 = arith.constant 0 : i32
        %dma_start3A_32 = tpu.memref_slice %arg3[%add3A, %mul3A_15, %dma_start3A_31] : memref<32x88x128xi32, #tpu.memory_space<hbm>> -> memref<1x8x128xi32, #tpu.memory_space<hbm>>
        %dma_start3A_33 = tpu.memref_squeeze %dma_start3A_32 : memref<1x8x128xi32, #tpu.memory_space<hbm>> -> memref<8x128xi32, #tpu.memory_space<hbm>>
        tpu.enqueue_dma source(%dma_start3A_33 : memref<8x128xi32, #tpu.memory_space<hbm>>) target(%arg7 : memref<8x128xi32, #tpu.memory_space<vmem>>) target_semaphore(%run_scoped3A : memref<!tpu.dma_semaphore, #tpu.memory_space<semaphore_mem>>)
        %dma_wait3A = arith.constant 0 : i32
        %dma_wait3A_34 = tpu.memref_slice %arg3[%add3A, %mul3A_15, %dma_wait3A] : memref<32x88x128xi32, #tpu.memory_space<hbm>> -> memref<1x8x128xi32, #tpu.memory_space<hbm>>
        %dma_wait3A_35 = tpu.memref_squeeze %dma_wait3A_34 : memref<1x8x128xi32, #tpu.memory_space<hbm>> -> memref<8x128xi32, #tpu.memory_space<hbm>>
        %dma_wait3A_36 = arith.constant 0 : i32
        %dma_wait3A_37 = tpu.memref_slice %arg3[%add3A, %mul3A_15, %dma_wait3A_36] : memref<32x88x128xi32, #tpu.memory_space<hbm>> -> memref<1x8x128xi32, #tpu.memory_space<hbm>>
        %dma_wait3A_38 = tpu.memref_squeeze %dma_wait3A_37 : memref<1x8x128xi32, #tpu.memory_space<hbm>> -> memref<8x128xi32, #tpu.memory_space<hbm>>
        tpu.wait_dma2 semaphore(%run_scoped3A : memref<!tpu.dma_semaphore, #tpu.memory_space<semaphore_mem>>) src(%dma_wait3A_38 : memref<8x128xi32, #tpu.memory_space<hbm>>) dst(%arg7 : memref<8x128xi32, #tpu.memory_space<vmem>>)
        tpu.yield
      }) : () -> ()
      "tpu.region"() ({
        %run_scoped3A = tpu.sem_alloc : memref<!tpu.dma_semaphore, #tpu.memory_space<semaphore_mem>>
        %dma_start3A_28 = arith.constant 0 : i32
        %dma_start3A_29 = tpu.memref_slice %arg4[%add3A, %mul3A_15, %dma_start3A_28] : memref<32x88x128xi32, #tpu.memory_space<hbm>> -> memref<1x8x128xi32, #tpu.memory_space<hbm>>
        %dma_start3A_30 = tpu.memref_squeeze %dma_start3A_29 : memref<1x8x128xi32, #tpu.memory_space<hbm>> -> memref<8x128xi32, #tpu.memory_space<hbm>>
        %dma_start3A_31 = arith.constant 0 : i32
        %dma_start3A_32 = tpu.memref_slice %arg4[%add3A, %mul3A_15, %dma_start3A_31] : memref<32x88x128xi32, #tpu.memory_space<hbm>> -> memref<1x8x128xi32, #tpu.memory_space<hbm>>
        %dma_start3A_33 = tpu.memref_squeeze %dma_start3A_32 : memref<1x8x128xi32, #tpu.memory_space<hbm>> -> memref<8x128xi32, #tpu.memory_space<hbm>>
        tpu.enqueue_dma source(%dma_start3A_33 : memref<8x128xi32, #tpu.memory_space<hbm>>) target(%arg8 : memref<8x128xi32, #tpu.memory_space<vmem>>) target_semaphore(%run_scoped3A : memref<!tpu.dma_semaphore, #tpu.memory_space<semaphore_mem>>)
        %dma_wait3A = arith.constant 0 : i32
        %dma_wait3A_34 = tpu.memref_slice %arg4[%add3A, %mul3A_15, %dma_wait3A] : memref<32x88x128xi32, #tpu.memory_space<hbm>> -> memref<1x8x128xi32, #tpu.memory_space<hbm>>
        %dma_wait3A_35 = tpu.memref_squeeze %dma_wait3A_34 : memref<1x8x128xi32, #tpu.memory_space<hbm>> -> memref<8x128xi32, #tpu.memory_space<hbm>>
        %dma_wait3A_36 = arith.constant 0 : i32
        %dma_wait3A_37 = tpu.memref_slice %arg4[%add3A, %mul3A_15, %dma_wait3A_36] : memref<32x88x128xi32, #tpu.memory_space<hbm>> -> memref<1x8x128xi32, #tpu.memory_space<hbm>>
        %dma_wait3A_38 = tpu.memref_squeeze %dma_wait3A_37 : memref<1x8x128xi32, #tpu.memory_space<hbm>> -> memref<8x128xi32, #tpu.memory_space<hbm>>
        tpu.wait_dma2 semaphore(%run_scoped3A : memref<!tpu.dma_semaphore, #tpu.memory_space<semaphore_mem>>) src(%dma_wait3A_38 : memref<8x128xi32, #tpu.memory_space<hbm>>) dst(%arg8 : memref<8x128xi32, #tpu.memory_space<vmem>>)
        tpu.yield
      }) : () -> ()
      %dma_start3A = arith.constant 0 : i32
      %dma_start3A_16 = arith.constant 0 : i32
      %dma_start3A_17 = tpu.memref_slice %arg7[%dma_start3A, %dma_start3A_16] : memref<8x128xi32, #tpu.memory_space<vmem>> -> memref<1x128xi32, #tpu.memory_space<vmem>>
      %dma_start3A_18 = tpu.memref_squeeze %dma_start3A_17 : memref<1x128xi32, #tpu.memory_space<vmem>> -> memref<128xi32, #tpu.memory_space<vmem>>
      %dma_start3A_19 = arith.constant 0 : i32
      %dma_start3A_20 = arith.constant 0 : i32
      %dma_start3A_21 = tpu.memref_slice %arg2[%dma_start3A_19, %dma_start3A_20] : memref<10000x128xf32, #tpu.memory_space<hbm>> -> memref<10000x128xf32, #tpu.memory_space<hbm>>
      tpu.enqueue_indirect_dma source(%dma_start3A_21 : memref<10000x128xf32, #tpu.memory_space<hbm>>) target(%arg9 : memref<128x128xf32, #tpu.memory_space<vmem>>) offsets(%dma_start3A_18 : memref<128xi32, #tpu.memory_space<vmem>>) semaphore(%arg12 : memref<!tpu.dma_semaphore, #tpu.memory_space<semaphore_mem>>)
      %scan3A_22 = arith.constant 0 : i32
      %scan3A_23 = arith.constant 0 : i32
      %scan3A_24 = arith.constant 4 : i32
      %scan3A_25 = arith.addi %scan3A_23, %scan3A_24 : i32
      %scan3A_26 = arith.constant 1 : i32
      scf.for %scan3A_28 = %scan3A_23 to %scan3A_25 step %scan3A_26  : i32 {
        %mul3A_29 = arith.constant 2 : i32
        %mul3A_30 = arith.muli %scan3A_28, %mul3A_29 : i32
        %dma_wait3A = arith.constant 0 : i32
        %dma_wait3A_31 = tpu.memref_slice %arg7[%mul3A_30, %dma_wait3A] : memref<8x128xi32, #tpu.memory_space<vmem>> -> memref<1x128xi32, #tpu.memory_space<vmem>>
        %dma_wait3A_32 = tpu.memref_squeeze %dma_wait3A_31 : memref<1x128xi32, #tpu.memory_space<vmem>> -> memref<128xi32, #tpu.memory_space<vmem>>
        %dma_wait3A_33 = arith.constant 0 : i32
        %dma_wait3A_34 = arith.constant 0 : i32
        %dma_wait3A_35 = tpu.memref_slice %arg2[%dma_wait3A_33, %dma_wait3A_34] : memref<10000x128xf32, #tpu.memory_space<hbm>> -> memref<10000x128xf32, #tpu.memory_space<hbm>>
        tpu.wait_indirect_dma semaphore(%arg12 : memref<!tpu.dma_semaphore, #tpu.memory_space<semaphore_mem>>) src(%dma_wait3A_35 : memref<10000x128xf32, #tpu.memory_space<hbm>>) dst(%arg9 : memref<128x128xf32, #tpu.memory_space<vmem>>)
        %add3A_36 = arith.constant 1 : i32
        %add3A_37 = arith.addi %mul3A_30, %add3A_36 : i32
        %dma_start3A_38 = arith.constant 0 : i32
        %dma_start3A_39 = tpu.memref_slice %arg7[%add3A_37, %dma_start3A_38] : memref<8x128xi32, #tpu.memory_space<vmem>> -> memref<1x128xi32, #tpu.memory_space<vmem>>
        %dma_start3A_40 = tpu.memref_squeeze %dma_start3A_39 : memref<1x128xi32, #tpu.memory_space<vmem>> -> memref<128xi32, #tpu.memory_space<vmem>>
        %dma_start3A_41 = arith.constant 0 : i32
        %dma_start3A_42 = arith.constant 0 : i32
        %dma_start3A_43 = tpu.memref_slice %arg2[%dma_start3A_41, %dma_start3A_42] : memref<10000x128xf32, #tpu.memory_space<hbm>> -> memref<10000x128xf32, #tpu.memory_space<hbm>>
        tpu.enqueue_indirect_dma source(%dma_start3A_43 : memref<10000x128xf32, #tpu.memory_space<hbm>>) target(%arg10 : memref<128x128xf32, #tpu.memory_space<vmem>>) offsets(%dma_start3A_40 : memref<128xi32, #tpu.memory_space<vmem>>) semaphore(%arg12 : memref<!tpu.dma_semaphore, #tpu.memory_space<semaphore_mem>>)
        "tpu.region"() ({
          %run_scoped3A = tpu.sem_alloc : memref<!tpu.dma_semaphore, #tpu.memory_space<semaphore_mem>>
          %dma_start3A_58 = arith.constant 0 : i32
          %dma_start3A_59 = tpu.memref_slice %arg8[%mul3A_30, %dma_start3A_58] : memref<8x128xi32, #tpu.memory_space<vmem>> -> memref<1x128xi32, #tpu.memory_space<vmem>>
          %dma_start3A_60 = tpu.memref_squeeze %dma_start3A_59 : memref<1x128xi32, #tpu.memory_space<vmem>> -> memref<128xi32, #tpu.memory_space<vmem>>
          %dma_start3A_61 = arith.constant 0 : i32
          %dma_start3A_62 = arith.constant 0 : i32
          %dma_start3A_63 = tpu.memref_slice %arg11[%dma_start3A_61, %dma_start3A_62] : memref<10240x128xf32, #tpu.memory_space<vmem_shared>> -> memref<10240x128xf32, #tpu.memory_space<vmem_shared>>
          tpu.enqueue_indirect_dma source(%arg9 : memref<128x128xf32, #tpu.memory_space<vmem>>) target(%dma_start3A_63 : memref<10240x128xf32, #tpu.memory_space<vmem_shared>>) offsets(%dma_start3A_60 : memref<128xi32, #tpu.memory_space<vmem>>) semaphore(%run_scoped3A : memref<!tpu.dma_semaphore, #tpu.memory_space<semaphore_mem>>) {add = true}
          %dma_wait3A_64 = arith.constant 0 : i32
          %dma_wait3A_65 = tpu.memref_slice %arg8[%mul3A_30, %dma_wait3A_64] : memref<8x128xi32, #tpu.memory_space<vmem>> -> memref<1x128xi32, #tpu.memory_space<vmem>>
          %dma_wait3A_66 = tpu.memref_squeeze %dma_wait3A_65 : memref<1x128xi32, #tpu.memory_space<vmem>> -> memref<128xi32, #tpu.memory_space<vmem>>
          %dma_wait3A_67 = arith.constant 0 : i32
          %dma_wait3A_68 = arith.constant 0 : i32
          %dma_wait3A_69 = tpu.memref_slice %arg11[%dma_wait3A_67, %dma_wait3A_68] : memref<10240x128xf32, #tpu.memory_space<vmem_shared>> -> memref<10240x128xf32, #tpu.memory_space<vmem_shared>>
          tpu.wait_indirect_dma semaphore(%run_scoped3A : memref<!tpu.dma_semaphore, #tpu.memory_space<semaphore_mem>>) src(%arg9 : memref<128x128xf32, #tpu.memory_space<vmem>>) dst(%dma_wait3A_69 : memref<10240x128xf32, #tpu.memory_space<vmem_shared>>)
          tpu.yield
        }) : () -> ()
        %add3A_44 = arith.constant 1 : i32
        %add3A_45 = arith.addi %mul3A_30, %add3A_44 : i32
        %dma_wait3A_46 = arith.constant 0 : i32
        %dma_wait3A_47 = tpu.memref_slice %arg7[%add3A_45, %dma_wait3A_46] : memref<8x128xi32, #tpu.memory_space<vmem>> -> memref<1x128xi32, #tpu.memory_space<vmem>>
        %dma_wait3A_48 = tpu.memref_squeeze %dma_wait3A_47 : memref<1x128xi32, #tpu.memory_space<vmem>> -> memref<128xi32, #tpu.memory_space<vmem>>
        %dma_wait3A_49 = arith.constant 0 : i32
        %dma_wait3A_50 = arith.constant 0 : i32
        %dma_wait3A_51 = tpu.memref_slice %arg2[%dma_wait3A_49, %dma_wait3A_50] : memref<10000x128xf32, #tpu.memory_space<hbm>> -> memref<10000x128xf32, #tpu.memory_space<hbm>>
        tpu.wait_indirect_dma semaphore(%arg12 : memref<!tpu.dma_semaphore, #tpu.memory_space<semaphore_mem>>) src(%dma_wait3A_51 : memref<10000x128xf32, #tpu.memory_space<hbm>>) dst(%arg10 : memref<128x128xf32, #tpu.memory_space<vmem>>)
        %add3A_52 = arith.constant 2 : i32
        %add3A_53 = arith.addi %mul3A_30, %add3A_52 : i32
        %lt3A = arith.constant 8 : i32
        %lt3A_54 = arith.cmpi slt, %add3A_53, %lt3A : i32
        %convert_element_type3A = arith.extui %lt3A_54 : i1 to i32
        %cond3A = arith.constant 0 : i32
        %cond3A_55 = arith.cmpi ne, %convert_element_type3A, %cond3A : i32
        scf.if %cond3A_55 {
          %add3A_58 = arith.constant 2 : i32
          %add3A_59 = arith.addi %mul3A_30, %add3A_58 : i32
          %dma_start3A_60 = arith.constant 0 : i32
          %dma_start3A_61 = tpu.memref_slice %arg7[%add3A_59, %dma_start3A_60] : memref<8x128xi32, #tpu.memory_space<vmem>> -> memref<1x128xi32, #tpu.memory_space<vmem>>
          %dma_start3A_62 = tpu.memref_squeeze %dma_start3A_61 : memref<1x128xi32, #tpu.memory_space<vmem>> -> memref<128xi32, #tpu.memory_space<vmem>>
          %dma_start3A_63 = arith.constant 0 : i32
          %dma_start3A_64 = arith.constant 0 : i32
          %dma_start3A_65 = tpu.memref_slice %arg2[%dma_start3A_63, %dma_start3A_64] : memref<10000x128xf32, #tpu.memory_space<hbm>> -> memref<10000x128xf32, #tpu.memory_space<hbm>>
          tpu.enqueue_indirect_dma source(%dma_start3A_65 : memref<10000x128xf32, #tpu.memory_space<hbm>>) target(%arg9 : memref<128x128xf32, #tpu.memory_space<vmem>>) offsets(%dma_start3A_62 : memref<128xi32, #tpu.memory_space<vmem>>) semaphore(%arg12 : memref<!tpu.dma_semaphore, #tpu.memory_space<semaphore_mem>>)
        } else {
        }
        %add3A_56 = arith.constant 1 : i32
        %add3A_57 = arith.addi %mul3A_30, %add3A_56 : i32
        "tpu.region"() ({
          %run_scoped3A = tpu.sem_alloc : memref<!tpu.dma_semaphore, #tpu.memory_space<semaphore_mem>>
          %dma_start3A_58 = arith.constant 0 : i32
          %dma_start3A_59 = tpu.memref_slice %arg8[%add3A_57, %dma_start3A_58] : memref<8x128xi32, #tpu.memory_space<vmem>> -> memref<1x128xi32, #tpu.memory_space<vmem>>
          %dma_start3A_60 = tpu.memref_squeeze %dma_start3A_59 : memref<1x128xi32, #tpu.memory_space<vmem>> -> memref<128xi32, #tpu.memory_space<vmem>>
          %dma_start3A_61 = arith.constant 0 : i32
          %dma_start3A_62 = arith.constant 0 : i32
          %dma_start3A_63 = tpu.memref_slice %arg11[%dma_start3A_61, %dma_start3A_62] : memref<10240x128xf32, #tpu.memory_space<vmem_shared>> -> memref<10240x128xf32, #tpu.memory_space<vmem_shared>>
          tpu.enqueue_indirect_dma source(%arg10 : memref<128x128xf32, #tpu.memory_space<vmem>>) target(%dma_start3A_63 : memref<10240x128xf32, #tpu.memory_space<vmem_shared>>) offsets(%dma_start3A_60 : memref<128xi32, #tpu.memory_space<vmem>>) semaphore(%run_scoped3A : memref<!tpu.dma_semaphore, #tpu.memory_space<semaphore_mem>>) {add = true}
          %dma_wait3A_64 = arith.constant 0 : i32
          %dma_wait3A_65 = tpu.memref_slice %arg8[%add3A_57, %dma_wait3A_64] : memref<8x128xi32, #tpu.memory_space<vmem>> -> memref<1x128xi32, #tpu.memory_space<vmem>>
          %dma_wait3A_66 = tpu.memref_squeeze %dma_wait3A_65 : memref<1x128xi32, #tpu.memory_space<vmem>> -> memref<128xi32, #tpu.memory_space<vmem>>
          %dma_wait3A_67 = arith.constant 0 : i32
          %dma_wait3A_68 = arith.constant 0 : i32
          %dma_wait3A_69 = tpu.memref_slice %arg11[%dma_wait3A_67, %dma_wait3A_68] : memref<10240x128xf32, #tpu.memory_space<vmem_shared>> -> memref<10240x128xf32, #tpu.memory_space<vmem_shared>>
          tpu.wait_indirect_dma semaphore(%run_scoped3A : memref<!tpu.dma_semaphore, #tpu.memory_space<semaphore_mem>>) src(%arg10 : memref<128x128xf32, #tpu.memory_space<vmem>>) dst(%dma_wait3A_69 : memref<10240x128xf32, #tpu.memory_space<vmem_shared>>)
          tpu.yield
        }) : () -> ()
      }
      %scan3A_27 = arith.constant 4 : i32
    }
    %scan3A_7 = arith.constant 11 : i32
    %barrier3A_8 = arith.constant 0 : index
    tpu.barrier barrier_id(%barrier3A_8)
    %mul3A_9 = arith.constant 640 : i32
    %mul3A_10 = arith.muli %arg1, %mul3A_9 : i32
    %mul3A_11 = arith.constant 640 : i32
    %mul3A_12 = arith.muli %arg1, %mul3A_11 : i32
    "tpu.region"() ({
      %run_scoped3A = tpu.sem_alloc : memref<!tpu.dma_semaphore, #tpu.memory_space<semaphore_mem>>
      %dma_start3A = arith.constant 0 : i32
      %dma_start3A_13 = tpu.memref_slice %arg6[%arg0, %mul3A_12, %dma_start3A] : memref<2x10240x128xf32, #tpu.memory_space<hbm>> -> memref<1x640x128xf32, #tpu.memory_space<hbm>>
      %dma_start3A_14 = tpu.memref_squeeze %dma_start3A_13 : memref<1x640x128xf32, #tpu.memory_space<hbm>> -> memref<640x128xf32, #tpu.memory_space<hbm>>
      %dma_start3A_15 = arith.constant 0 : i32
      %dma_start3A_16 = tpu.memref_slice %arg11[%mul3A_10, %dma_start3A_15] : memref<10240x128xf32, #tpu.memory_space<vmem_shared>> -> memref<640x128xf32, #tpu.memory_space<vmem_shared>>
      tpu.enqueue_dma source(%dma_start3A_16 : memref<640x128xf32, #tpu.memory_space<vmem_shared>>) target(%dma_start3A_14 : memref<640x128xf32, #tpu.memory_space<hbm>>) target_semaphore(%run_scoped3A : memref<!tpu.dma_semaphore, #tpu.memory_space<semaphore_mem>>)
      %dma_wait3A = arith.constant 0 : i32
      %dma_wait3A_17 = tpu.memref_slice %arg6[%arg0, %mul3A_12, %dma_wait3A] : memref<2x10240x128xf32, #tpu.memory_space<hbm>> -> memref<1x640x128xf32, #tpu.memory_space<hbm>>
      %dma_wait3A_18 = tpu.memref_squeeze %dma_wait3A_17 : memref<1x640x128xf32, #tpu.memory_space<hbm>> -> memref<640x128xf32, #tpu.memory_space<hbm>>
      %dma_wait3A_19 = arith.constant 0 : i32
      %dma_wait3A_20 = tpu.memref_slice %arg11[%mul3A_10, %dma_wait3A_19] : memref<10240x128xf32, #tpu.memory_space<vmem_shared>> -> memref<640x128xf32, #tpu.memory_space<vmem_shared>>
      tpu.wait_dma2 semaphore(%run_scoped3A : memref<!tpu.dma_semaphore, #tpu.memory_space<semaphore_mem>>) src(%dma_wait3A_20 : memref<640x128xf32, #tpu.memory_space<vmem_shared>>) dst(%dma_wait3A_18 : memref<640x128xf32, #tpu.memory_space<hbm>>)
      tpu.yield
    }) : () -> ()
    return
  }
}

#map = affine_map<(d0, d1) -> (0, 0)>
#map1 = affine_map<(d0, d1) -> (0, 0, 0)>
module attributes {stable_mosaic.version = 14 : i64} {
  func.func @agg_kernel(%arg0: i32, %arg1: i32, %arg2: memref<10000x128xf32, #tpu.memory_space<hbm>>, %arg3: memref<32x88x128xi32, #tpu.memory_space<hbm>>, %arg4: memref<32x88x128xi32, #tpu.memory_space<hbm>>, %arg5: memref<640x128xf32, #tpu.memory_space<hbm>>, %arg6: memref<2x10240x128xf32, #tpu.memory_space<hbm>>, %arg7: memref<8x128xi32, #tpu.memory_space<vmem>>, %arg8: memref<8x128xi32, #tpu.memory_space<vmem>>, %arg9: memref<128x128xf32, #tpu.memory_space<vmem>>, %arg10: memref<128x128xf32, #tpu.memory_space<vmem>>, %arg11: memref<10240x128xf32, #tpu.memory_space<vmem_shared>>, %arg12: memref<!tpu.dma_semaphore, #tpu.memory_space<semaphore_mem>>) attributes {dimension_semantics = [#tpu.dimension_semantics<core_parallel>, #tpu.dimension_semantics<subcore_parallel>], iteration_bounds = array<i64: 2, 16>, scalar_prefetch = 0 : i64, scratch_operands = 6 : i64, tpu.core_type = #tpu.core_type<sc_vector_subcore>, window_params = [{transform_indices = #map}, {transform_indices = #map1}, {transform_indices = #map1}, {transform_indices = #map}, {transform_indices = #map1}]} {
    %mul3A = arith.constant 2 : i32
    %mul3A_0 = arith.muli %arg1, %mul3A : i32
    %add3A = arith.addi %mul3A_0, %arg0 : i32
    %mul3A_1 = arith.constant 640 : i32
    %mul3A_2 = arith.muli %arg1, %mul3A_1 : i32
    "tpu.region"() ({
      %run_scoped3A = tpu.sem_alloc : memref<!tpu.dma_semaphore, #tpu.memory_space<semaphore_mem>>
      %dma_start3A = arith.constant 0 : i32
      %dma_start3A_13 = tpu.memref_slice %arg11[%mul3A_2, %dma_start3A] : memref<10240x128xf32, #tpu.memory_space<vmem_shared>> -> memref<640x128xf32, #tpu.memory_space<vmem_shared>>
      tpu.enqueue_dma source(%arg5 : memref<640x128xf32, #tpu.memory_space<hbm>>) target(%dma_start3A_13 : memref<640x128xf32, #tpu.memory_space<vmem_shared>>) target_semaphore(%run_scoped3A : memref<!tpu.dma_semaphore, #tpu.memory_space<semaphore_mem>>)
      %dma_wait3A = arith.constant 0 : i32
      %dma_wait3A_14 = tpu.memref_slice %arg11[%mul3A_2, %dma_wait3A] : memref<10240x128xf32, #tpu.memory_space<vmem_shared>> -> memref<640x128xf32, #tpu.memory_space<vmem_shared>>
      tpu.wait_dma2 semaphore(%run_scoped3A : memref<!tpu.dma_semaphore, #tpu.memory_space<semaphore_mem>>) src(%arg5 : memref<640x128xf32, #tpu.memory_space<hbm>>) dst(%dma_wait3A_14 : memref<640x128xf32, #tpu.memory_space<vmem_shared>>)
      tpu.yield
    }) : () -> ()
    %barrier3A = arith.constant 0 : index
    tpu.barrier barrier_id(%barrier3A)
    %scan3A = arith.constant 0 : i32
    %scan3A_3 = arith.constant 0 : i32
    %scan3A_4 = arith.constant 11 : i32
    %scan3A_5 = arith.addi %scan3A_3, %scan3A_4 : i32
    %scan3A_6 = arith.constant 1 : i32
    scf.for %scan3A_13 = %scan3A_3 to %scan3A_5 step %scan3A_6  : i32 {
      %mul3A_14 = arith.constant 8 : i32
      %mul3A_15 = arith.muli %scan3A_13, %mul3A_14 : i32
      "tpu.region"() ({
        %run_scoped3A = tpu.sem_alloc : memref<!tpu.dma_semaphore, #tpu.memory_space<semaphore_mem>>
        %dma_start3A_28 = arith.constant 0 : i32
        %dma_start3A_29 = tpu.memref_slice %arg3[%add3A, %mul3A_15, %dma_start3A_28] : memref<32x88x128xi32, #tpu.memory_space<hbm>> -> memref<1x8x128xi32, #tpu.memory_space<hbm>>
        %dma_start3A_30 = tpu.memref_squeeze %dma_start3A_29 : memref<1x8x128xi32, #tpu.memory_space<hbm>> -> memref<8x128xi32, #tpu.memory_space<hbm>>
        %dma_start3A_31 = arith.constant 0 : i32
        %dma_start3A_32 = tpu.memref_slice %arg3[%add3A, %mul3A_15, %dma_start3A_31] : memref<32x88x128xi32, #tpu.memory_space<hbm>> -> memref<1x8x128xi32, #tpu.memory_space<hbm>>
        %dma_start3A_33 = tpu.memref_squeeze %dma_start3A_32 : memref<1x8x128xi32, #tpu.memory_space<hbm>> -> memref<8x128xi32, #tpu.memory_space<hbm>>
        tpu.enqueue_dma source(%dma_start3A_33 : memref<8x128xi32, #tpu.memory_space<hbm>>) target(%arg7 : memref<8x128xi32, #tpu.memory_space<vmem>>) target_semaphore(%run_scoped3A : memref<!tpu.dma_semaphore, #tpu.memory_space<semaphore_mem>>)
        %dma_wait3A = arith.constant 0 : i32
        %dma_wait3A_34 = tpu.memref_slice %arg3[%add3A, %mul3A_15, %dma_wait3A] : memref<32x88x128xi32, #tpu.memory_space<hbm>> -> memref<1x8x128xi32, #tpu.memory_space<hbm>>
        %dma_wait3A_35 = tpu.memref_squeeze %dma_wait3A_34 : memref<1x8x128xi32, #tpu.memory_space<hbm>> -> memref<8x128xi32, #tpu.memory_space<hbm>>
        %dma_wait3A_36 = arith.constant 0 : i32
        %dma_wait3A_37 = tpu.memref_slice %arg3[%add3A, %mul3A_15, %dma_wait3A_36] : memref<32x88x128xi32, #tpu.memory_space<hbm>> -> memref<1x8x128xi32, #tpu.memory_space<hbm>>
        %dma_wait3A_38 = tpu.memref_squeeze %dma_wait3A_37 : memref<1x8x128xi32, #tpu.memory_space<hbm>> -> memref<8x128xi32, #tpu.memory_space<hbm>>
        tpu.wait_dma2 semaphore(%run_scoped3A : memref<!tpu.dma_semaphore, #tpu.memory_space<semaphore_mem>>) src(%dma_wait3A_38 : memref<8x128xi32, #tpu.memory_space<hbm>>) dst(%arg7 : memref<8x128xi32, #tpu.memory_space<vmem>>)
        tpu.yield
      }) : () -> ()
      "tpu.region"() ({
        %run_scoped3A = tpu.sem_alloc : memref<!tpu.dma_semaphore, #tpu.memory_space<semaphore_mem>>
        %dma_start3A_28 = arith.constant 0 : i32
        %dma_start3A_29 = tpu.memref_slice %arg4[%add3A, %mul3A_15, %dma_start3A_28] : memref<32x88x128xi32, #tpu.memory_space<hbm>> -> memref<1x8x128xi32, #tpu.memory_space<hbm>>
        %dma_start3A_30 = tpu.memref_squeeze %dma_start3A_29 : memref<1x8x128xi32, #tpu.memory_space<hbm>> -> memref<8x128xi32, #tpu.memory_space<hbm>>
        %dma_start3A_31 = arith.constant 0 : i32
        %dma_start3A_32 = tpu.memref_slice %arg4[%add3A, %mul3A_15, %dma_start3A_31] : memref<32x88x128xi32, #tpu.memory_space<hbm>> -> memref<1x8x128xi32, #tpu.memory_space<hbm>>
        %dma_start3A_33 = tpu.memref_squeeze %dma_start3A_32 : memref<1x8x128xi32, #tpu.memory_space<hbm>> -> memref<8x128xi32, #tpu.memory_space<hbm>>
        tpu.enqueue_dma source(%dma_start3A_33 : memref<8x128xi32, #tpu.memory_space<hbm>>) target(%arg8 : memref<8x128xi32, #tpu.memory_space<vmem>>) target_semaphore(%run_scoped3A : memref<!tpu.dma_semaphore, #tpu.memory_space<semaphore_mem>>)
        %dma_wait3A = arith.constant 0 : i32
        %dma_wait3A_34 = tpu.memref_slice %arg4[%add3A, %mul3A_15, %dma_wait3A] : memref<32x88x128xi32, #tpu.memory_space<hbm>> -> memref<1x8x128xi32, #tpu.memory_space<hbm>>
        %dma_wait3A_35 = tpu.memref_squeeze %dma_wait3A_34 : memref<1x8x128xi32, #tpu.memory_space<hbm>> -> memref<8x128xi32, #tpu.memory_space<hbm>>
        %dma_wait3A_36 = arith.constant 0 : i32
        %dma_wait3A_37 = tpu.memref_slice %arg4[%add3A, %mul3A_15, %dma_wait3A_36] : memref<32x88x128xi32, #tpu.memory_space<hbm>> -> memref<1x8x128xi32, #tpu.memory_space<hbm>>
        %dma_wait3A_38 = tpu.memref_squeeze %dma_wait3A_37 : memref<1x8x128xi32, #tpu.memory_space<hbm>> -> memref<8x128xi32, #tpu.memory_space<hbm>>
        tpu.wait_dma2 semaphore(%run_scoped3A : memref<!tpu.dma_semaphore, #tpu.memory_space<semaphore_mem>>) src(%dma_wait3A_38 : memref<8x128xi32, #tpu.memory_space<hbm>>) dst(%arg8 : memref<8x128xi32, #tpu.memory_space<vmem>>)
        tpu.yield
      }) : () -> ()
      %dma_start3A = arith.constant 0 : i32
      %dma_start3A_16 = arith.constant 0 : i32
      %dma_start3A_17 = tpu.memref_slice %arg7[%dma_start3A, %dma_start3A_16] : memref<8x128xi32, #tpu.memory_space<vmem>> -> memref<1x128xi32, #tpu.memory_space<vmem>>
      %dma_start3A_18 = tpu.memref_squeeze %dma_start3A_17 : memref<1x128xi32, #tpu.memory_space<vmem>> -> memref<128xi32, #tpu.memory_space<vmem>>
      %dma_start3A_19 = arith.constant 0 : i32
      %dma_start3A_20 = arith.constant 0 : i32
      %dma_start3A_21 = tpu.memref_slice %arg2[%dma_start3A_19, %dma_start3A_20] : memref<10000x128xf32, #tpu.memory_space<hbm>> -> memref<10000x128xf32, #tpu.memory_space<hbm>>
      tpu.enqueue_indirect_dma source(%dma_start3A_21 : memref<10000x128xf32, #tpu.memory_space<hbm>>) target(%arg9 : memref<128x128xf32, #tpu.memory_space<vmem>>) offsets(%dma_start3A_18 : memref<128xi32, #tpu.memory_space<vmem>>) semaphore(%arg12 : memref<!tpu.dma_semaphore, #tpu.memory_space<semaphore_mem>>)
      %scan3A_22 = arith.constant 0 : i32
      %scan3A_23 = arith.constant 0 : i32
      %scan3A_24 = arith.constant 4 : i32
      %scan3A_25 = arith.addi %scan3A_23, %scan3A_24 : i32
      %scan3A_26 = arith.constant 1 : i32
      scf.for %scan3A_28 = %scan3A_23 to %scan3A_25 step %scan3A_26  : i32 {
        %mul3A_29 = arith.constant 2 : i32
        %mul3A_30 = arith.muli %scan3A_28, %mul3A_29 : i32
        %dma_wait3A = arith.constant 0 : i32
        %dma_wait3A_31 = tpu.memref_slice %arg7[%mul3A_30, %dma_wait3A] : memref<8x128xi32, #tpu.memory_space<vmem>> -> memref<1x128xi32, #tpu.memory_space<vmem>>
        %dma_wait3A_32 = tpu.memref_squeeze %dma_wait3A_31 : memref<1x128xi32, #tpu.memory_space<vmem>> -> memref<128xi32, #tpu.memory_space<vmem>>
        %dma_wait3A_33 = arith.constant 0 : i32
        %dma_wait3A_34 = arith.constant 0 : i32
        %dma_wait3A_35 = tpu.memref_slice %arg2[%dma_wait3A_33, %dma_wait3A_34] : memref<10000x128xf32, #tpu.memory_space<hbm>> -> memref<10000x128xf32, #tpu.memory_space<hbm>>
        tpu.wait_indirect_dma semaphore(%arg12 : memref<!tpu.dma_semaphore, #tpu.memory_space<semaphore_mem>>) src(%dma_wait3A_35 : memref<10000x128xf32, #tpu.memory_space<hbm>>) dst(%arg9 : memref<128x128xf32, #tpu.memory_space<vmem>>)
        %add3A_36 = arith.constant 1 : i32
        %add3A_37 = arith.addi %mul3A_30, %add3A_36 : i32
        %dma_start3A_38 = arith.constant 0 : i32
        %dma_start3A_39 = tpu.memref_slice %arg7[%add3A_37, %dma_start3A_38] : memref<8x128xi32, #tpu.memory_space<vmem>> -> memref<1x128xi32, #tpu.memory_space<vmem>>
        %dma_start3A_40 = tpu.memref_squeeze %dma_start3A_39 : memref<1x128xi32, #tpu.memory_space<vmem>> -> memref<128xi32, #tpu.memory_space<vmem>>
        %dma_start3A_41 = arith.constant 0 : i32
        %dma_start3A_42 = arith.constant 0 : i32
        %dma_start3A_43 = tpu.memref_slice %arg2[%dma_start3A_41, %dma_start3A_42] : memref<10000x128xf32, #tpu.memory_space<hbm>> -> memref<10000x128xf32, #tpu.memory_space<hbm>>
        tpu.enqueue_indirect_dma source(%dma_start3A_43 : memref<10000x128xf32, #tpu.memory_space<hbm>>) target(%arg10 : memref<128x128xf32, #tpu.memory_space<vmem>>) offsets(%dma_start3A_40 : memref<128xi32, #tpu.memory_space<vmem>>) semaphore(%arg12 : memref<!tpu.dma_semaphore, #tpu.memory_space<semaphore_mem>>)
        "tpu.region"() ({
          %run_scoped3A = tpu.sem_alloc : memref<!tpu.dma_semaphore, #tpu.memory_space<semaphore_mem>>
          %dma_start3A_58 = arith.constant 0 : i32
          %dma_start3A_59 = tpu.memref_slice %arg8[%mul3A_30, %dma_start3A_58] : memref<8x128xi32, #tpu.memory_space<vmem>> -> memref<1x128xi32, #tpu.memory_space<vmem>>
          %dma_start3A_60 = tpu.memref_squeeze %dma_start3A_59 : memref<1x128xi32, #tpu.memory_space<vmem>> -> memref<128xi32, #tpu.memory_space<vmem>>
          %dma_start3A_61 = arith.constant 0 : i32
          %dma_start3A_62 = arith.constant 0 : i32
          %dma_start3A_63 = tpu.memref_slice %arg11[%dma_start3A_61, %dma_start3A_62] : memref<10240x128xf32, #tpu.memory_space<vmem_shared>> -> memref<10240x128xf32, #tpu.memory_space<vmem_shared>>
          tpu.enqueue_indirect_dma source(%arg9 : memref<128x128xf32, #tpu.memory_space<vmem>>) target(%dma_start3A_63 : memref<10240x128xf32, #tpu.memory_space<vmem_shared>>) offsets(%dma_start3A_60 : memref<128xi32, #tpu.memory_space<vmem>>) semaphore(%run_scoped3A : memref<!tpu.dma_semaphore, #tpu.memory_space<semaphore_mem>>) {add = true}
          %dma_wait3A_64 = arith.constant 0 : i32
          %dma_wait3A_65 = tpu.memref_slice %arg8[%mul3A_30, %dma_wait3A_64] : memref<8x128xi32, #tpu.memory_space<vmem>> -> memref<1x128xi32, #tpu.memory_space<vmem>>
          %dma_wait3A_66 = tpu.memref_squeeze %dma_wait3A_65 : memref<1x128xi32, #tpu.memory_space<vmem>> -> memref<128xi32, #tpu.memory_space<vmem>>
          %dma_wait3A_67 = arith.constant 0 : i32
          %dma_wait3A_68 = arith.constant 0 : i32
          %dma_wait3A_69 = tpu.memref_slice %arg11[%dma_wait3A_67, %dma_wait3A_68] : memref<10240x128xf32, #tpu.memory_space<vmem_shared>> -> memref<10240x128xf32, #tpu.memory_space<vmem_shared>>
          tpu.wait_indirect_dma semaphore(%run_scoped3A : memref<!tpu.dma_semaphore, #tpu.memory_space<semaphore_mem>>) src(%arg9 : memref<128x128xf32, #tpu.memory_space<vmem>>) dst(%dma_wait3A_69 : memref<10240x128xf32, #tpu.memory_space<vmem_shared>>)
          tpu.yield
        }) : () -> ()
        %add3A_44 = arith.constant 1 : i32
        %add3A_45 = arith.addi %mul3A_30, %add3A_44 : i32
        %dma_wait3A_46 = arith.constant 0 : i32
        %dma_wait3A_47 = tpu.memref_slice %arg7[%add3A_45, %dma_wait3A_46] : memref<8x128xi32, #tpu.memory_space<vmem>> -> memref<1x128xi32, #tpu.memory_space<vmem>>
        %dma_wait3A_48 = tpu.memref_squeeze %dma_wait3A_47 : memref<1x128xi32, #tpu.memory_space<vmem>> -> memref<128xi32, #tpu.memory_space<vmem>>
        %dma_wait3A_49 = arith.constant 0 : i32
        %dma_wait3A_50 = arith.constant 0 : i32
        %dma_wait3A_51 = tpu.memref_slice %arg2[%dma_wait3A_49, %dma_wait3A_50] : memref<10000x128xf32, #tpu.memory_space<hbm>> -> memref<10000x128xf32, #tpu.memory_space<hbm>>
        tpu.wait_indirect_dma semaphore(%arg12 : memref<!tpu.dma_semaphore, #tpu.memory_space<semaphore_mem>>) src(%dma_wait3A_51 : memref<10000x128xf32, #tpu.memory_space<hbm>>) dst(%arg10 : memref<128x128xf32, #tpu.memory_space<vmem>>)
        %add3A_52 = arith.constant 2 : i32
        %add3A_53 = arith.addi %mul3A_30, %add3A_52 : i32
        %lt3A = arith.constant 8 : i32
        %lt3A_54 = arith.cmpi slt, %add3A_53, %lt3A : i32
        %convert_element_type3A = arith.extui %lt3A_54 : i1 to i32
        %cond3A = arith.constant 0 : i32
        %cond3A_55 = arith.cmpi ne, %convert_element_type3A, %cond3A : i32
        scf.if %cond3A_55 {
          %add3A_58 = arith.constant 2 : i32
          %add3A_59 = arith.addi %mul3A_30, %add3A_58 : i32
          %dma_start3A_60 = arith.constant 0 : i32
          %dma_start3A_61 = tpu.memref_slice %arg7[%add3A_59, %dma_start3A_60] : memref<8x128xi32, #tpu.memory_space<vmem>> -> memref<1x128xi32, #tpu.memory_space<vmem>>
          %dma_start3A_62 = tpu.memref_squeeze %dma_start3A_61 : memref<1x128xi32, #tpu.memory_space<vmem>> -> memref<128xi32, #tpu.memory_space<vmem>>
          %dma_start3A_63 = arith.constant 0 : i32
          %dma_start3A_64 = arith.constant 0 : i32
          %dma_start3A_65 = tpu.memref_slice %arg2[%dma_start3A_63, %dma_start3A_64] : memref<10000x128xf32, #tpu.memory_space<hbm>> -> memref<10000x128xf32, #tpu.memory_space<hbm>>
          tpu.enqueue_indirect_dma source(%dma_start3A_65 : memref<10000x128xf32, #tpu.memory_space<hbm>>) target(%arg9 : memref<128x128xf32, #tpu.memory_space<vmem>>) offsets(%dma_start3A_62 : memref<128xi32, #tpu.memory_space<vmem>>) semaphore(%arg12 : memref<!tpu.dma_semaphore, #tpu.memory_space<semaphore_mem>>)
        } else {
        }
        %add3A_56 = arith.constant 1 : i32
        %add3A_57 = arith.addi %mul3A_30, %add3A_56 : i32
        "tpu.region"() ({
          %run_scoped3A = tpu.sem_alloc : memref<!tpu.dma_semaphore, #tpu.memory_space<semaphore_mem>>
          %dma_start3A_58 = arith.constant 0 : i32
          %dma_start3A_59 = tpu.memref_slice %arg8[%add3A_57, %dma_start3A_58] : memref<8x128xi32, #tpu.memory_space<vmem>> -> memref<1x128xi32, #tpu.memory_space<vmem>>
          %dma_start3A_60 = tpu.memref_squeeze %dma_start3A_59 : memref<1x128xi32, #tpu.memory_space<vmem>> -> memref<128xi32, #tpu.memory_space<vmem>>
          %dma_start3A_61 = arith.constant 0 : i32
          %dma_start3A_62 = arith.constant 0 : i32
          %dma_start3A_63 = tpu.memref_slice %arg11[%dma_start3A_61, %dma_start3A_62] : memref<10240x128xf32, #tpu.memory_space<vmem_shared>> -> memref<10240x128xf32, #tpu.memory_space<vmem_shared>>
          tpu.enqueue_indirect_dma source(%arg10 : memref<128x128xf32, #tpu.memory_space<vmem>>) target(%dma_start3A_63 : memref<10240x128xf32, #tpu.memory_space<vmem_shared>>) offsets(%dma_start3A_60 : memref<128xi32, #tpu.memory_space<vmem>>) semaphore(%run_scoped3A : memref<!tpu.dma_semaphore, #tpu.memory_space<semaphore_mem>>) {add = true}
          %dma_wait3A_64 = arith.constant 0 : i32
          %dma_wait3A_65 = tpu.memref_slice %arg8[%add3A_57, %dma_wait3A_64] : memref<8x128xi32, #tpu.memory_space<vmem>> -> memref<1x128xi32, #tpu.memory_space<vmem>>
          %dma_wait3A_66 = tpu.memref_squeeze %dma_wait3A_65 : memref<1x128xi32, #tpu.memory_space<vmem>> -> memref<128xi32, #tpu.memory_space<vmem>>
          %dma_wait3A_67 = arith.constant 0 : i32
          %dma_wait3A_68 = arith.constant 0 : i32
          %dma_wait3A_69 = tpu.memref_slice %arg11[%dma_wait3A_67, %dma_wait3A_68] : memref<10240x128xf32, #tpu.memory_space<vmem_shared>> -> memref<10240x128xf32, #tpu.memory_space<vmem_shared>>
          tpu.wait_indirect_dma semaphore(%run_scoped3A : memref<!tpu.dma_semaphore, #tpu.memory_space<semaphore_mem>>) src(%arg10 : memref<128x128xf32, #tpu.memory_space<vmem>>) dst(%dma_wait3A_69 : memref<10240x128xf32, #tpu.memory_space<vmem_shared>>)
          tpu.yield
        }) : () -> ()
      }
      %scan3A_27 = arith.constant 4 : i32
    }
    %scan3A_7 = arith.constant 11 : i32
    %barrier3A_8 = arith.constant 0 : index
    tpu.barrier barrier_id(%barrier3A_8)
    %mul3A_9 = arith.constant 640 : i32
    %mul3A_10 = arith.muli %arg1, %mul3A_9 : i32
    %mul3A_11 = arith.constant 640 : i32
    %mul3A_12 = arith.muli %arg1, %mul3A_11 : i32
    "tpu.region"() ({
      %run_scoped3A = tpu.sem_alloc : memref<!tpu.dma_semaphore, #tpu.memory_space<semaphore_mem>>
      %dma_start3A = arith.constant 0 : i32
      %dma_start3A_13 = tpu.memref_slice %arg6[%arg0, %mul3A_12, %dma_start3A] : memref<2x10240x128xf32, #tpu.memory_space<hbm>> -> memref<1x640x128xf32, #tpu.memory_space<hbm>>
      %dma_start3A_14 = tpu.memref_squeeze %dma_start3A_13 : memref<1x640x128xf32, #tpu.memory_space<hbm>> -> memref<640x128xf32, #tpu.memory_space<hbm>>
      %dma_start3A_15 = arith.constant 0 : i32
      %dma_start3A_16 = tpu.memref_slice %arg11[%mul3A_10, %dma_start3A_15] : memref<10240x128xf32, #tpu.memory_space<vmem_shared>> -> memref<640x128xf32, #tpu.memory_space<vmem_shared>>
      tpu.enqueue_dma source(%dma_start3A_16 : memref<640x128xf32, #tpu.memory_space<vmem_shared>>) target(%dma_start3A_14 : memref<640x128xf32, #tpu.memory_space<hbm>>) target_semaphore(%run_scoped3A : memref<!tpu.dma_semaphore, #tpu.memory_space<semaphore_mem>>)
      %dma_wait3A = arith.constant 0 : i32
      %dma_wait3A_17 = tpu.memref_slice %arg6[%arg0, %mul3A_12, %dma_wait3A] : memref<2x10240x128xf32, #tpu.memory_space<hbm>> -> memref<1x640x128xf32, #tpu.memory_space<hbm>>
      %dma_wait3A_18 = tpu.memref_squeeze %dma_wait3A_17 : memref<1x640x128xf32, #tpu.memory_space<hbm>> -> memref<640x128xf32, #tpu.memory_space<hbm>>
      %dma_wait3A_19 = arith.constant 0 : i32
      %dma_wait3A_20 = tpu.memref_slice %arg11[%mul3A_10, %dma_wait3A_19] : memref<10240x128xf32, #tpu.memory_space<vmem_shared>> -> memref<640x128xf32, #tpu.memory_space<vmem_shared>>
      tpu.wait_dma2 semaphore(%run_scoped3A : memref<!tpu.dma_semaphore, #tpu.memory_space<semaphore_mem>>) src(%dma_wait3A_20 : memref<640x128xf32, #tpu.memory_space<vmem_shared>>) dst(%dma_wait3A_18 : memref<640x128xf32, #tpu.memory_space<hbm>>)
      tpu.yield
    }) : () -> ()
    return
  }
}

#map = affine_map<(d0, d1) -> (0, 0)>
#map1 = affine_map<(d0, d1) -> (0, 0, 0)>
module attributes {stable_mosaic.version = 14 : i64} {
  func.func @agg_kernel(%arg0: i32, %arg1: i32, %arg2: memref<10000x128xf32, #tpu.memory_space<hbm>>, %arg3: memref<32x88x128xi32, #tpu.memory_space<hbm>>, %arg4: memref<32x88x128xi32, #tpu.memory_space<hbm>>, %arg5: memref<640x128xf32, #tpu.memory_space<hbm>>, %arg6: memref<2x10240x128xf32, #tpu.memory_space<hbm>>, %arg7: memref<8x128xi32, #tpu.memory_space<vmem>>, %arg8: memref<8x128xi32, #tpu.memory_space<vmem>>, %arg9: memref<128x128xf32, #tpu.memory_space<vmem>>, %arg10: memref<128x128xf32, #tpu.memory_space<vmem>>, %arg11: memref<10240x128xf32, #tpu.memory_space<vmem_shared>>, %arg12: memref<!tpu.dma_semaphore, #tpu.memory_space<semaphore_mem>>) attributes {dimension_semantics = [#tpu.dimension_semantics<core_parallel>, #tpu.dimension_semantics<subcore_parallel>], iteration_bounds = array<i64: 2, 16>, scalar_prefetch = 0 : i64, scratch_operands = 6 : i64, tpu.core_type = #tpu.core_type<sc_vector_subcore>, window_params = [{transform_indices = #map}, {transform_indices = #map1}, {transform_indices = #map1}, {transform_indices = #map}, {transform_indices = #map1}]} {
    %mul3A = arith.constant 2 : i32
    %mul3A_0 = arith.muli %arg1, %mul3A : i32
    %add3A = arith.addi %mul3A_0, %arg0 : i32
    %mul3A_1 = arith.constant 640 : i32
    %mul3A_2 = arith.muli %arg1, %mul3A_1 : i32
    "tpu.region"() ({
      %run_scoped3A = tpu.sem_alloc : memref<!tpu.dma_semaphore, #tpu.memory_space<semaphore_mem>>
      %dma_start3A = arith.constant 0 : i32
      %dma_start3A_13 = tpu.memref_slice %arg11[%mul3A_2, %dma_start3A] : memref<10240x128xf32, #tpu.memory_space<vmem_shared>> -> memref<640x128xf32, #tpu.memory_space<vmem_shared>>
      tpu.enqueue_dma source(%arg5 : memref<640x128xf32, #tpu.memory_space<hbm>>) target(%dma_start3A_13 : memref<640x128xf32, #tpu.memory_space<vmem_shared>>) target_semaphore(%run_scoped3A : memref<!tpu.dma_semaphore, #tpu.memory_space<semaphore_mem>>)
      %dma_wait3A = arith.constant 0 : i32
      %dma_wait3A_14 = tpu.memref_slice %arg11[%mul3A_2, %dma_wait3A] : memref<10240x128xf32, #tpu.memory_space<vmem_shared>> -> memref<640x128xf32, #tpu.memory_space<vmem_shared>>
      tpu.wait_dma2 semaphore(%run_scoped3A : memref<!tpu.dma_semaphore, #tpu.memory_space<semaphore_mem>>) src(%arg5 : memref<640x128xf32, #tpu.memory_space<hbm>>) dst(%dma_wait3A_14 : memref<640x128xf32, #tpu.memory_space<vmem_shared>>)
      tpu.yield
    }) : () -> ()
    %barrier3A = arith.constant 0 : index
    tpu.barrier barrier_id(%barrier3A)
    %scan3A = arith.constant 0 : i32
    %scan3A_3 = arith.constant 0 : i32
    %scan3A_4 = arith.constant 11 : i32
    %scan3A_5 = arith.addi %scan3A_3, %scan3A_4 : i32
    %scan3A_6 = arith.constant 1 : i32
    scf.for %scan3A_13 = %scan3A_3 to %scan3A_5 step %scan3A_6  : i32 {
      %mul3A_14 = arith.constant 8 : i32
      %mul3A_15 = arith.muli %scan3A_13, %mul3A_14 : i32
      "tpu.region"() ({
        %run_scoped3A = tpu.sem_alloc : memref<!tpu.dma_semaphore, #tpu.memory_space<semaphore_mem>>
        %dma_start3A_28 = arith.constant 0 : i32
        %dma_start3A_29 = tpu.memref_slice %arg3[%add3A, %mul3A_15, %dma_start3A_28] : memref<32x88x128xi32, #tpu.memory_space<hbm>> -> memref<1x8x128xi32, #tpu.memory_space<hbm>>
        %dma_start3A_30 = tpu.memref_squeeze %dma_start3A_29 : memref<1x8x128xi32, #tpu.memory_space<hbm>> -> memref<8x128xi32, #tpu.memory_space<hbm>>
        %dma_start3A_31 = arith.constant 0 : i32
        %dma_start3A_32 = tpu.memref_slice %arg3[%add3A, %mul3A_15, %dma_start3A_31] : memref<32x88x128xi32, #tpu.memory_space<hbm>> -> memref<1x8x128xi32, #tpu.memory_space<hbm>>
        %dma_start3A_33 = tpu.memref_squeeze %dma_start3A_32 : memref<1x8x128xi32, #tpu.memory_space<hbm>> -> memref<8x128xi32, #tpu.memory_space<hbm>>
        tpu.enqueue_dma source(%dma_start3A_33 : memref<8x128xi32, #tpu.memory_space<hbm>>) target(%arg7 : memref<8x128xi32, #tpu.memory_space<vmem>>) target_semaphore(%run_scoped3A : memref<!tpu.dma_semaphore, #tpu.memory_space<semaphore_mem>>)
        %dma_wait3A = arith.constant 0 : i32
        %dma_wait3A_34 = tpu.memref_slice %arg3[%add3A, %mul3A_15, %dma_wait3A] : memref<32x88x128xi32, #tpu.memory_space<hbm>> -> memref<1x8x128xi32, #tpu.memory_space<hbm>>
        %dma_wait3A_35 = tpu.memref_squeeze %dma_wait3A_34 : memref<1x8x128xi32, #tpu.memory_space<hbm>> -> memref<8x128xi32, #tpu.memory_space<hbm>>
        %dma_wait3A_36 = arith.constant 0 : i32
        %dma_wait3A_37 = tpu.memref_slice %arg3[%add3A, %mul3A_15, %dma_wait3A_36] : memref<32x88x128xi32, #tpu.memory_space<hbm>> -> memref<1x8x128xi32, #tpu.memory_space<hbm>>
        %dma_wait3A_38 = tpu.memref_squeeze %dma_wait3A_37 : memref<1x8x128xi32, #tpu.memory_space<hbm>> -> memref<8x128xi32, #tpu.memory_space<hbm>>
        tpu.wait_dma2 semaphore(%run_scoped3A : memref<!tpu.dma_semaphore, #tpu.memory_space<semaphore_mem>>) src(%dma_wait3A_38 : memref<8x128xi32, #tpu.memory_space<hbm>>) dst(%arg7 : memref<8x128xi32, #tpu.memory_space<vmem>>)
        tpu.yield
      }) : () -> ()
      "tpu.region"() ({
        %run_scoped3A = tpu.sem_alloc : memref<!tpu.dma_semaphore, #tpu.memory_space<semaphore_mem>>
        %dma_start3A_28 = arith.constant 0 : i32
        %dma_start3A_29 = tpu.memref_slice %arg4[%add3A, %mul3A_15, %dma_start3A_28] : memref<32x88x128xi32, #tpu.memory_space<hbm>> -> memref<1x8x128xi32, #tpu.memory_space<hbm>>
        %dma_start3A_30 = tpu.memref_squeeze %dma_start3A_29 : memref<1x8x128xi32, #tpu.memory_space<hbm>> -> memref<8x128xi32, #tpu.memory_space<hbm>>
        %dma_start3A_31 = arith.constant 0 : i32
        %dma_start3A_32 = tpu.memref_slice %arg4[%add3A, %mul3A_15, %dma_start3A_31] : memref<32x88x128xi32, #tpu.memory_space<hbm>> -> memref<1x8x128xi32, #tpu.memory_space<hbm>>
        %dma_start3A_33 = tpu.memref_squeeze %dma_start3A_32 : memref<1x8x128xi32, #tpu.memory_space<hbm>> -> memref<8x128xi32, #tpu.memory_space<hbm>>
        tpu.enqueue_dma source(%dma_start3A_33 : memref<8x128xi32, #tpu.memory_space<hbm>>) target(%arg8 : memref<8x128xi32, #tpu.memory_space<vmem>>) target_semaphore(%run_scoped3A : memref<!tpu.dma_semaphore, #tpu.memory_space<semaphore_mem>>)
        %dma_wait3A = arith.constant 0 : i32
        %dma_wait3A_34 = tpu.memref_slice %arg4[%add3A, %mul3A_15, %dma_wait3A] : memref<32x88x128xi32, #tpu.memory_space<hbm>> -> memref<1x8x128xi32, #tpu.memory_space<hbm>>
        %dma_wait3A_35 = tpu.memref_squeeze %dma_wait3A_34 : memref<1x8x128xi32, #tpu.memory_space<hbm>> -> memref<8x128xi32, #tpu.memory_space<hbm>>
        %dma_wait3A_36 = arith.constant 0 : i32
        %dma_wait3A_37 = tpu.memref_slice %arg4[%add3A, %mul3A_15, %dma_wait3A_36] : memref<32x88x128xi32, #tpu.memory_space<hbm>> -> memref<1x8x128xi32, #tpu.memory_space<hbm>>
        %dma_wait3A_38 = tpu.memref_squeeze %dma_wait3A_37 : memref<1x8x128xi32, #tpu.memory_space<hbm>> -> memref<8x128xi32, #tpu.memory_space<hbm>>
        tpu.wait_dma2 semaphore(%run_scoped3A : memref<!tpu.dma_semaphore, #tpu.memory_space<semaphore_mem>>) src(%dma_wait3A_38 : memref<8x128xi32, #tpu.memory_space<hbm>>) dst(%arg8 : memref<8x128xi32, #tpu.memory_space<vmem>>)
        tpu.yield
      }) : () -> ()
      %dma_start3A = arith.constant 0 : i32
      %dma_start3A_16 = arith.constant 0 : i32
      %dma_start3A_17 = tpu.memref_slice %arg7[%dma_start3A, %dma_start3A_16] : memref<8x128xi32, #tpu.memory_space<vmem>> -> memref<1x128xi32, #tpu.memory_space<vmem>>
      %dma_start3A_18 = tpu.memref_squeeze %dma_start3A_17 : memref<1x128xi32, #tpu.memory_space<vmem>> -> memref<128xi32, #tpu.memory_space<vmem>>
      %dma_start3A_19 = arith.constant 0 : i32
      %dma_start3A_20 = arith.constant 0 : i32
      %dma_start3A_21 = tpu.memref_slice %arg2[%dma_start3A_19, %dma_start3A_20] : memref<10000x128xf32, #tpu.memory_space<hbm>> -> memref<10000x128xf32, #tpu.memory_space<hbm>>
      tpu.enqueue_indirect_dma source(%dma_start3A_21 : memref<10000x128xf32, #tpu.memory_space<hbm>>) target(%arg9 : memref<128x128xf32, #tpu.memory_space<vmem>>) offsets(%dma_start3A_18 : memref<128xi32, #tpu.memory_space<vmem>>) semaphore(%arg12 : memref<!tpu.dma_semaphore, #tpu.memory_space<semaphore_mem>>)
      %scan3A_22 = arith.constant 0 : i32
      %scan3A_23 = arith.constant 0 : i32
      %scan3A_24 = arith.constant 4 : i32
      %scan3A_25 = arith.addi %scan3A_23, %scan3A_24 : i32
      %scan3A_26 = arith.constant 1 : i32
      scf.for %scan3A_28 = %scan3A_23 to %scan3A_25 step %scan3A_26  : i32 {
        %mul3A_29 = arith.constant 2 : i32
        %mul3A_30 = arith.muli %scan3A_28, %mul3A_29 : i32
        %dma_wait3A = arith.constant 0 : i32
        %dma_wait3A_31 = tpu.memref_slice %arg7[%mul3A_30, %dma_wait3A] : memref<8x128xi32, #tpu.memory_space<vmem>> -> memref<1x128xi32, #tpu.memory_space<vmem>>
        %dma_wait3A_32 = tpu.memref_squeeze %dma_wait3A_31 : memref<1x128xi32, #tpu.memory_space<vmem>> -> memref<128xi32, #tpu.memory_space<vmem>>
        %dma_wait3A_33 = arith.constant 0 : i32
        %dma_wait3A_34 = arith.constant 0 : i32
        %dma_wait3A_35 = tpu.memref_slice %arg2[%dma_wait3A_33, %dma_wait3A_34] : memref<10000x128xf32, #tpu.memory_space<hbm>> -> memref<10000x128xf32, #tpu.memory_space<hbm>>
        tpu.wait_indirect_dma semaphore(%arg12 : memref<!tpu.dma_semaphore, #tpu.memory_space<semaphore_mem>>) src(%dma_wait3A_35 : memref<10000x128xf32, #tpu.memory_space<hbm>>) dst(%arg9 : memref<128x128xf32, #tpu.memory_space<vmem>>)
        %add3A_36 = arith.constant 1 : i32
        %add3A_37 = arith.addi %mul3A_30, %add3A_36 : i32
        %dma_start3A_38 = arith.constant 0 : i32
        %dma_start3A_39 = tpu.memref_slice %arg7[%add3A_37, %dma_start3A_38] : memref<8x128xi32, #tpu.memory_space<vmem>> -> memref<1x128xi32, #tpu.memory_space<vmem>>
        %dma_start3A_40 = tpu.memref_squeeze %dma_start3A_39 : memref<1x128xi32, #tpu.memory_space<vmem>> -> memref<128xi32, #tpu.memory_space<vmem>>
        %dma_start3A_41 = arith.constant 0 : i32
        %dma_start3A_42 = arith.constant 0 : i32
        %dma_start3A_43 = tpu.memref_slice %arg2[%dma_start3A_41, %dma_start3A_42] : memref<10000x128xf32, #tpu.memory_space<hbm>> -> memref<10000x128xf32, #tpu.memory_space<hbm>>
        tpu.enqueue_indirect_dma source(%dma_start3A_43 : memref<10000x128xf32, #tpu.memory_space<hbm>>) target(%arg10 : memref<128x128xf32, #tpu.memory_space<vmem>>) offsets(%dma_start3A_40 : memref<128xi32, #tpu.memory_space<vmem>>) semaphore(%arg12 : memref<!tpu.dma_semaphore, #tpu.memory_space<semaphore_mem>>)
        "tpu.region"() ({
          %run_scoped3A = tpu.sem_alloc : memref<!tpu.dma_semaphore, #tpu.memory_space<semaphore_mem>>
          %dma_start3A_58 = arith.constant 0 : i32
          %dma_start3A_59 = tpu.memref_slice %arg8[%mul3A_30, %dma_start3A_58] : memref<8x128xi32, #tpu.memory_space<vmem>> -> memref<1x128xi32, #tpu.memory_space<vmem>>
          %dma_start3A_60 = tpu.memref_squeeze %dma_start3A_59 : memref<1x128xi32, #tpu.memory_space<vmem>> -> memref<128xi32, #tpu.memory_space<vmem>>
          %dma_start3A_61 = arith.constant 0 : i32
          %dma_start3A_62 = arith.constant 0 : i32
          %dma_start3A_63 = tpu.memref_slice %arg11[%dma_start3A_61, %dma_start3A_62] : memref<10240x128xf32, #tpu.memory_space<vmem_shared>> -> memref<10240x128xf32, #tpu.memory_space<vmem_shared>>
          tpu.enqueue_indirect_dma source(%arg9 : memref<128x128xf32, #tpu.memory_space<vmem>>) target(%dma_start3A_63 : memref<10240x128xf32, #tpu.memory_space<vmem_shared>>) offsets(%dma_start3A_60 : memref<128xi32, #tpu.memory_space<vmem>>) semaphore(%run_scoped3A : memref<!tpu.dma_semaphore, #tpu.memory_space<semaphore_mem>>) {add = true}
          %dma_wait3A_64 = arith.constant 0 : i32
          %dma_wait3A_65 = tpu.memref_slice %arg8[%mul3A_30, %dma_wait3A_64] : memref<8x128xi32, #tpu.memory_space<vmem>> -> memref<1x128xi32, #tpu.memory_space<vmem>>
          %dma_wait3A_66 = tpu.memref_squeeze %dma_wait3A_65 : memref<1x128xi32, #tpu.memory_space<vmem>> -> memref<128xi32, #tpu.memory_space<vmem>>
          %dma_wait3A_67 = arith.constant 0 : i32
          %dma_wait3A_68 = arith.constant 0 : i32
          %dma_wait3A_69 = tpu.memref_slice %arg11[%dma_wait3A_67, %dma_wait3A_68] : memref<10240x128xf32, #tpu.memory_space<vmem_shared>> -> memref<10240x128xf32, #tpu.memory_space<vmem_shared>>
          tpu.wait_indirect_dma semaphore(%run_scoped3A : memref<!tpu.dma_semaphore, #tpu.memory_space<semaphore_mem>>) src(%arg9 : memref<128x128xf32, #tpu.memory_space<vmem>>) dst(%dma_wait3A_69 : memref<10240x128xf32, #tpu.memory_space<vmem_shared>>)
          tpu.yield
        }) : () -> ()
        %add3A_44 = arith.constant 1 : i32
        %add3A_45 = arith.addi %mul3A_30, %add3A_44 : i32
        %dma_wait3A_46 = arith.constant 0 : i32
        %dma_wait3A_47 = tpu.memref_slice %arg7[%add3A_45, %dma_wait3A_46] : memref<8x128xi32, #tpu.memory_space<vmem>> -> memref<1x128xi32, #tpu.memory_space<vmem>>
        %dma_wait3A_48 = tpu.memref_squeeze %dma_wait3A_47 : memref<1x128xi32, #tpu.memory_space<vmem>> -> memref<128xi32, #tpu.memory_space<vmem>>
        %dma_wait3A_49 = arith.constant 0 : i32
        %dma_wait3A_50 = arith.constant 0 : i32
        %dma_wait3A_51 = tpu.memref_slice %arg2[%dma_wait3A_49, %dma_wait3A_50] : memref<10000x128xf32, #tpu.memory_space<hbm>> -> memref<10000x128xf32, #tpu.memory_space<hbm>>
        tpu.wait_indirect_dma semaphore(%arg12 : memref<!tpu.dma_semaphore, #tpu.memory_space<semaphore_mem>>) src(%dma_wait3A_51 : memref<10000x128xf32, #tpu.memory_space<hbm>>) dst(%arg10 : memref<128x128xf32, #tpu.memory_space<vmem>>)
        %add3A_52 = arith.constant 2 : i32
        %add3A_53 = arith.addi %mul3A_30, %add3A_52 : i32
        %lt3A = arith.constant 8 : i32
        %lt3A_54 = arith.cmpi slt, %add3A_53, %lt3A : i32
        %convert_element_type3A = arith.extui %lt3A_54 : i1 to i32
        %cond3A = arith.constant 0 : i32
        %cond3A_55 = arith.cmpi ne, %convert_element_type3A, %cond3A : i32
        scf.if %cond3A_55 {
          %add3A_58 = arith.constant 2 : i32
          %add3A_59 = arith.addi %mul3A_30, %add3A_58 : i32
          %dma_start3A_60 = arith.constant 0 : i32
          %dma_start3A_61 = tpu.memref_slice %arg7[%add3A_59, %dma_start3A_60] : memref<8x128xi32, #tpu.memory_space<vmem>> -> memref<1x128xi32, #tpu.memory_space<vmem>>
          %dma_start3A_62 = tpu.memref_squeeze %dma_start3A_61 : memref<1x128xi32, #tpu.memory_space<vmem>> -> memref<128xi32, #tpu.memory_space<vmem>>
          %dma_start3A_63 = arith.constant 0 : i32
          %dma_start3A_64 = arith.constant 0 : i32
          %dma_start3A_65 = tpu.memref_slice %arg2[%dma_start3A_63, %dma_start3A_64] : memref<10000x128xf32, #tpu.memory_space<hbm>> -> memref<10000x128xf32, #tpu.memory_space<hbm>>
          tpu.enqueue_indirect_dma source(%dma_start3A_65 : memref<10000x128xf32, #tpu.memory_space<hbm>>) target(%arg9 : memref<128x128xf32, #tpu.memory_space<vmem>>) offsets(%dma_start3A_62 : memref<128xi32, #tpu.memory_space<vmem>>) semaphore(%arg12 : memref<!tpu.dma_semaphore, #tpu.memory_space<semaphore_mem>>)
        } else {
        }
        %add3A_56 = arith.constant 1 : i32
        %add3A_57 = arith.addi %mul3A_30, %add3A_56 : i32
        "tpu.region"() ({
          %run_scoped3A = tpu.sem_alloc : memref<!tpu.dma_semaphore, #tpu.memory_space<semaphore_mem>>
          %dma_start3A_58 = arith.constant 0 : i32
          %dma_start3A_59 = tpu.memref_slice %arg8[%add3A_57, %dma_start3A_58] : memref<8x128xi32, #tpu.memory_space<vmem>> -> memref<1x128xi32, #tpu.memory_space<vmem>>
          %dma_start3A_60 = tpu.memref_squeeze %dma_start3A_59 : memref<1x128xi32, #tpu.memory_space<vmem>> -> memref<128xi32, #tpu.memory_space<vmem>>
          %dma_start3A_61 = arith.constant 0 : i32
          %dma_start3A_62 = arith.constant 0 : i32
          %dma_start3A_63 = tpu.memref_slice %arg11[%dma_start3A_61, %dma_start3A_62] : memref<10240x128xf32, #tpu.memory_space<vmem_shared>> -> memref<10240x128xf32, #tpu.memory_space<vmem_shared>>
          tpu.enqueue_indirect_dma source(%arg10 : memref<128x128xf32, #tpu.memory_space<vmem>>) target(%dma_start3A_63 : memref<10240x128xf32, #tpu.memory_space<vmem_shared>>) offsets(%dma_start3A_60 : memref<128xi32, #tpu.memory_space<vmem>>) semaphore(%run_scoped3A : memref<!tpu.dma_semaphore, #tpu.memory_space<semaphore_mem>>) {add = true}
          %dma_wait3A_64 = arith.constant 0 : i32
          %dma_wait3A_65 = tpu.memref_slice %arg8[%add3A_57, %dma_wait3A_64] : memref<8x128xi32, #tpu.memory_space<vmem>> -> memref<1x128xi32, #tpu.memory_space<vmem>>
          %dma_wait3A_66 = tpu.memref_squeeze %dma_wait3A_65 : memref<1x128xi32, #tpu.memory_space<vmem>> -> memref<128xi32, #tpu.memory_space<vmem>>
          %dma_wait3A_67 = arith.constant 0 : i32
          %dma_wait3A_68 = arith.constant 0 : i32
          %dma_wait3A_69 = tpu.memref_slice %arg11[%dma_wait3A_67, %dma_wait3A_68] : memref<10240x128xf32, #tpu.memory_space<vmem_shared>> -> memref<10240x128xf32, #tpu.memory_space<vmem_shared>>
          tpu.wait_indirect_dma semaphore(%run_scoped3A : memref<!tpu.dma_semaphore, #tpu.memory_space<semaphore_mem>>) src(%arg10 : memref<128x128xf32, #tpu.memory_space<vmem>>) dst(%dma_wait3A_69 : memref<10240x128xf32, #tpu.memory_space<vmem_shared>>)
          tpu.yield
        }) : () -> ()
      }
      %scan3A_27 = arith.constant 4 : i32
    }
    %scan3A_7 = arith.constant 11 : i32
    %barrier3A_8 = arith.constant 0 : index
    tpu.barrier barrier_id(%barrier3A_8)
    %mul3A_9 = arith.constant 640 : i32
    %mul3A_10 = arith.muli %arg1, %mul3A_9 : i32
    %mul3A_11 = arith.constant 640 : i32
    %mul3A_12 = arith.muli %arg1, %mul3A_11 : i32
    "tpu.region"() ({
      %run_scoped3A = tpu.sem_alloc : memref<!tpu.dma_semaphore, #tpu.memory_space<semaphore_mem>>
      %dma_start3A = arith.constant 0 : i32
      %dma_start3A_13 = tpu.memref_slice %arg6[%arg0, %mul3A_12, %dma_start3A] : memref<2x10240x128xf32, #tpu.memory_space<hbm>> -> memref<1x640x128xf32, #tpu.memory_space<hbm>>
      %dma_start3A_14 = tpu.memref_squeeze %dma_start3A_13 : memref<1x640x128xf32, #tpu.memory_space<hbm>> -> memref<640x128xf32, #tpu.memory_space<hbm>>
      %dma_start3A_15 = arith.constant 0 : i32
      %dma_start3A_16 = tpu.memref_slice %arg11[%mul3A_10, %dma_start3A_15] : memref<10240x128xf32, #tpu.memory_space<vmem_shared>> -> memref<640x128xf32, #tpu.memory_space<vmem_shared>>
      tpu.enqueue_dma source(%dma_start3A_16 : memref<640x128xf32, #tpu.memory_space<vmem_shared>>) target(%dma_start3A_14 : memref<640x128xf32, #tpu.memory_space<hbm>>) target_semaphore(%run_scoped3A : memref<!tpu.dma_semaphore, #tpu.memory_space<semaphore_mem>>)
      %dma_wait3A = arith.constant 0 : i32
      %dma_wait3A_17 = tpu.memref_slice %arg6[%arg0, %mul3A_12, %dma_wait3A] : memref<2x10240x128xf32, #tpu.memory_space<hbm>> -> memref<1x640x128xf32, #tpu.memory_space<hbm>>
      %dma_wait3A_18 = tpu.memref_squeeze %dma_wait3A_17 : memref<1x640x128xf32, #tpu.memory_space<hbm>> -> memref<640x128xf32, #tpu.memory_space<hbm>>
      %dma_wait3A_19 = arith.constant 0 : i32
      %dma_wait3A_20 = tpu.memref_slice %arg11[%mul3A_10, %dma_wait3A_19] : memref<10240x128xf32, #tpu.memory_space<vmem_shared>> -> memref<640x128xf32, #tpu.memory_space<vmem_shared>>
      tpu.wait_dma2 semaphore(%run_scoped3A : memref<!tpu.dma_semaphore, #tpu.memory_space<semaphore_mem>>) src(%dma_wait3A_20 : memref<640x128xf32, #tpu.memory_space<vmem_shared>>) dst(%dma_wait3A_18 : memref<640x128xf32, #tpu.memory_space<hbm>>)
      tpu.yield
    }) : () -> ()
    return
  }
}

module attributes {stable_mosaic.version = 14 : i64} {
  func.func @body(%arg0: i32, %arg1: memref<1x1x512xi32, #tpu.memory_space<vmem>>, %arg2: memref<1x1x512xi32, #tpu.memory_space<vmem>>, %arg3: memref<8x32xf32, #tpu.memory_space<vmem>>) attributes {dimension_semantics = [#tpu.dimension_semantics<arbitrary>], iteration_bounds = array<i64: 625>, scalar_prefetch = 0 : i64, scratch_operands = 1 : i64, tpu.core_type = #tpu.core_type<tc>, window_params = [{transform_indices = @transform_0, window_bounds = array<i64: 1, 1, 512>}, {transform_indices = @transform_1, window_bounds = array<i64: 1, 1, 512>}]} {
    %eq3A = arith.constant 0 : i32
    %eq3A_0 = arith.cmpi eq, %arg0, %eq3A : i32
    %convert_element_type3A = arith.extui %eq3A_0 : i1 to i32
    %cond3A = arith.constant 0 : i32
    %cond3A_1 = arith.cmpi ne, %convert_element_type3A, %cond3A : i32
    scf.if %cond3A_1 {
      %broadcast_in_dim3A_46 = arith.constant 0.000000e+00 : f32
      %broadcast_in_dim3A_47 = vector.broadcast %broadcast_in_dim3A_46 : f32 to vector<8x32xf32>
      %swap3A_48 = arith.constant 0 : index
      %swap3A_49 = arith.constant 0 : index
      %swap3A_50 = vector.load %arg3[%swap3A_48, %swap3A_49] : memref<8x32xf32, #tpu.memory_space<vmem>>, vector<8x32xf32>
      tpu.vector_store %arg3[%swap3A_48, %swap3A_49], %broadcast_in_dim3A_47 {strides = array<i32>} : memref<8x32xf32, #tpu.memory_space<vmem>>, vector<8x32xf32>,
    } else {
    }
    %get3A = arith.constant 0 : index
    %get3A_2 = arith.constant 0 : index
    %get3A_3 = arith.constant 0 : index
    %get3A_4 = vector.load %arg1[%get3A, %get3A_2, %get3A_3] : memref<1x1x512xi32, #tpu.memory_space<vmem>>, vector<1x1x512xi32>
    %get3A_5 = vector.shape_cast %get3A_4 : vector<1x1x512xi32> to vector<512xi32>
    %broadcast_in_dim3A = vector.shape_cast %get3A_5 : vector<512xi32> to vector<512x1xi32>
    %iota3A = tpu.iota {dimensions = array<i32: 1>} : vector<512x32xi32>
    %eq3A_6 = vector.broadcast %broadcast_in_dim3A : vector<512x1xi32> to vector<512x32xi32>
    %eq3A_7 = arith.cmpi eq, %eq3A_6, %iota3A : vector<512x32xi32>
    %convert_element_type3A_8 = arith.extui %eq3A_7 : vector<512x32xi1> to vector<512x32xi32>
    %convert_element_type3A_9 = arith.sitofp %convert_element_type3A_8 : vector<512x32xi32> to vector<512x32xf32>
    %iota3A_10 = tpu.iota {dimensions = array<i32: 0>} : vector<512x512xi32>
    %iota3A_11 = tpu.iota {dimensions = array<i32: 1>} : vector<512x512xi32>
    %lt3A = arith.cmpi slt, %iota3A_11, %iota3A_10 : vector<512x512xi32>
    %convert_element_type3A_12 = arith.extui %lt3A : vector<512x512xi1> to vector<512x512xi32>
    %convert_element_type3A_13 = arith.sitofp %convert_element_type3A_12 : vector<512x512xi32> to vector<512x512xf32>
    %dot_general3A = arith.constant dense<0.000000e+00> : vector<512x32xf32>
    %dot_general3A_14 = tpu.matmul %convert_element_type3A_13, %convert_element_type3A_9, %dot_general3A {dimension_numbers = #tpu.dot_dimension_numbers<[1], [0], [0], [1], [0, 0, 1, 1], [], []>, transpose_lhs_hint = false} : vector<512x512xf32>, vector<512x32xf32>, vector<512x32xf32> -> vector<512x32xf32>
    %get3A_15 = arith.constant 0 : index
    %get3A_16 = arith.constant 0 : index
    %get3A_17 = vector.load %arg3[%get3A_15, %get3A_16] : memref<8x32xf32, #tpu.memory_space<vmem>>, vector<1x32xf32>
    %add3A = vector.broadcast %get3A_17 : vector<1x32xf32> to vector<512x32xf32>
    %add3A_18 = arith.addf %dot_general3A_14, %add3A : vector<512x32xf32>
    %mul3A = arith.mulf %add3A_18, %convert_element_type3A_9 : vector<512x32xf32>
    %reduce_sum3A = arith.constant dense<0.000000e+00> : vector<512xf32>
    %reduce_sum3A_19 = vector.multi_reduction <add>, %mul3A, %reduce_sum3A [1] : vector<512x32xf32> to vector<512xf32>
    %lt3A_20 = arith.constant 1.126400e+04 : f32
    %lt3A_21 = vector.broadcast %lt3A_20 : f32 to vector<512xf32>
    %lt3A_22 = arith.cmpf olt, %reduce_sum3A_19, %lt3A_21 : vector<512xf32>
    %convert_element_type3A_23 = arith.sitofp %get3A_5 : vector<512xi32> to vector<512xf32>
    %mul3A_24 = arith.constant 1.126400e+04 : f32
    %mul3A_25 = vector.broadcast %mul3A_24 : f32 to vector<512xf32>
    %mul3A_26 = arith.mulf %convert_element_type3A_23, %mul3A_25 : vector<512xf32>
    %add3A_27 = arith.addf %mul3A_26, %reduce_sum3A_19 : vector<512xf32>
    %jit3A = arith.constant 3.604470e+05 : f32
    %broadcast_in_dim3A_28 = vector.broadcast %jit3A : f32 to vector<512xf32>
    %select_n3A = arith.select %lt3A_22, %add3A_27, %broadcast_in_dim3A_28 : vector<512xi1>, vector<512xf32>
    %convert_element_type3A_29 = arith.fptosi %select_n3A : vector<512xf32> to vector<512xi32>
    %swap3A = arith.constant 0 : index
    %swap3A_30 = arith.constant 0 : index
    %swap3A_31 = arith.constant 0 : index
    %swap3A_32 = vector.load %arg2[%swap3A, %swap3A_30, %swap3A_31] : memref<1x1x512xi32, #tpu.memory_space<vmem>>, vector<1x1x512xi32>
    %swap3A_33 = vector.shape_cast %swap3A_32 : vector<1x1x512xi32> to vector<512xi32>
    %swap3A_34 = vector.shape_cast %convert_element_type3A_29 : vector<512xi32> to vector<1x1x512xi32>
    tpu.vector_store %arg2[%swap3A, %swap3A_30, %swap3A_31], %swap3A_34 {strides = array<i32>} : memref<1x1x512xi32, #tpu.memory_space<vmem>>, vector<1x1x512xi32>,
    %get3A_35 = arith.constant 0 : index
    %get3A_36 = arith.constant 0 : index
    %get3A_37 = vector.load %arg3[%get3A_35, %get3A_36] : memref<8x32xf32, #tpu.memory_space<vmem>>, vector<8x32xf32>
    %reduce_sum3A_38 = arith.constant dense<0.000000e+00> : vector<32xf32>
    %reduce_sum3A_39 = vector.multi_reduction <add>, %convert_element_type3A_9, %reduce_sum3A_38 [0] : vector<512x32xf32> to vector<32xf32>
    %broadcast_in_dim3A_40 = vector.shape_cast %reduce_sum3A_39 : vector<32xf32> to vector<1x32xf32>
    %add3A_41 = vector.broadcast %broadcast_in_dim3A_40 : vector<1x32xf32> to vector<8x32xf32>
    %add3A_42 = arith.addf %get3A_37, %add3A_41 : vector<8x32xf32>
    %swap3A_43 = arith.constant 0 : index
    %swap3A_44 = arith.constant 0 : index
    %swap3A_45 = vector.load %arg3[%swap3A_43, %swap3A_44] : memref<8x32xf32, #tpu.memory_space<vmem>>, vector<8x32xf32>
    tpu.vector_store %arg3[%swap3A_43, %swap3A_44], %add3A_42 {strides = array<i32>} : memref<8x32xf32, #tpu.memory_space<vmem>>, vector<8x32xf32>,
    return
  }
  func.func @transform_0(%arg0: i32) -> (i32, i32, i32) {
    %c0_i32 = arith.constant 0 : i32
    %c0_i32_0 = arith.constant 0 : i32
    %c0_i32_1 = arith.constant 0 : i32
    return %arg0, %c0_i32, %c0_i32_0 : i32, i32, i32
  }
  func.func @transform_1(%arg0: i32) -> (i32, i32, i32) {
    %c0_i32 = arith.constant 0 : i32
    %c0_i32_0 = arith.constant 0 : i32
    %c0_i32_1 = arith.constant 0 : i32
    return %arg0, %c0_i32, %c0_i32_0 : i32, i32, i32
  }
}

module attributes {stable_mosaic.version = 14 : i64} {
  func.func @body(%arg0: i32, %arg1: memref<1000x128xf32, #tpu.memory_space<vmem>>, %arg2: memref<1x1000x128xf32, #tpu.memory_space<vmem>>, %arg3: memref<1x1000x128xf32, #tpu.memory_space<vmem>>, %arg4: memref<128x128xf32, #tpu.memory_space<vmem>>, %arg5: memref<128xf32, #tpu.memory_space<vmem>>, %arg6: memref<128x128xf32, #tpu.memory_space<vmem>>, %arg7: memref<128xf32, #tpu.memory_space<vmem>>, %arg8: memref<1000x128xf32, #tpu.memory_space<vmem>>) attributes {dimension_semantics = [#tpu.dimension_semantics<arbitrary>], iteration_bounds = array<i64: 10>, scalar_prefetch = 0 : i64, scratch_operands = 0 : i64, tpu.core_type = #tpu.core_type<tc>, window_params = [{transform_indices = @transform_0, window_bounds = array<i64: 1000, 128>}, {transform_indices = @transform_1, window_bounds = array<i64: 1, 1000, 128>}, {transform_indices = @transform_2, window_bounds = array<i64: 1, 1000, 128>}, {pipeline_mode = #tpu.pipeline_mode<synchronous>, transform_indices = @transform_3, window_bounds = array<i64: 128, 128>}, {pipeline_mode = #tpu.pipeline_mode<synchronous>, transform_indices = @transform_4, window_bounds = array<i64: 128>}, {pipeline_mode = #tpu.pipeline_mode<synchronous>, transform_indices = @transform_5, window_bounds = array<i64: 128, 128>}, {pipeline_mode = #tpu.pipeline_mode<synchronous>, transform_indices = @transform_6, window_bounds = array<i64: 128>}, {transform_indices = @transform_7, window_bounds = array<i64: 1000, 128>}]} {
    %get3A = arith.constant 0 : index
    %get3A_0 = arith.constant 0 : index
    %get3A_1 = vector.load %arg1[%get3A, %get3A_0] : memref<1000x128xf32, #tpu.memory_space<vmem>>, vector<1000x128xf32>
    %get3A_2 = arith.constant 0 : index
    %get3A_3 = arith.constant 0 : index
    %get3A_4 = arith.constant 0 : index
    %get3A_5 = vector.load %arg2[%get3A_2, %get3A_3, %get3A_4] : memref<1x1000x128xf32, #tpu.memory_space<vmem>>, vector<1x1000x128xf32>
    %get3A_6 = vector.shape_cast %get3A_5 : vector<1x1000x128xf32> to vector<1000x128xf32>
    %add3A = arith.addf %get3A_1, %get3A_6 : vector<1000x128xf32>
    %get3A_7 = arith.constant 0 : index
    %get3A_8 = arith.constant 0 : index
    %get3A_9 = arith.constant 0 : index
    %get3A_10 = vector.load %arg3[%get3A_7, %get3A_8, %get3A_9] : memref<1x1000x128xf32, #tpu.memory_space<vmem>>, vector<1x1000x128xf32>
    %get3A_11 = vector.shape_cast %get3A_10 : vector<1x1000x128xf32> to vector<1000x128xf32>
    %add3A_12 = arith.addf %add3A, %get3A_11 : vector<1000x128xf32>
    %get3A_13 = arith.constant 0 : index
    %get3A_14 = arith.constant 0 : index
    %get3A_15 = vector.load %arg4[%get3A_13, %get3A_14] : memref<128x128xf32, #tpu.memory_space<vmem>>, vector<128x128xf32>
    %dot_general3A = arith.constant dense<0.000000e+00> : vector<1000x128xf32>
    %dot_general3A_16 = tpu.matmul %add3A_12, %get3A_15, %dot_general3A {dimension_numbers = #tpu.dot_dimension_numbers<[1], [0], [0], [1], [0, 0, 1, 1], [], []>, transpose_lhs_hint = false} : vector<1000x128xf32>, vector<128x128xf32>, vector<1000x128xf32> -> vector<1000x128xf32>
    %get3A_17 = arith.constant 0 : index
    %get3A_18 = vector.load %arg5[%get3A_17] : memref<128xf32, #tpu.memory_space<vmem>>, vector<128xf32>
    %broadcast_in_dim3A = vector.shape_cast %get3A_18 : vector<128xf32> to vector<1x128xf32>
    %add3A_19 = vector.broadcast %broadcast_in_dim3A : vector<1x128xf32> to vector<1000x128xf32>
    %add3A_20 = arith.addf %dot_general3A_16, %add3A_19 : vector<1000x128xf32>
    %max3A = arith.constant 0.000000e+00 : f32
    %max3A_21 = vector.broadcast %max3A : f32 to vector<1000x128xf32>
    %max3A_22 = arith.maximumf %add3A_20, %max3A_21 : vector<1000x128xf32>
    %get3A_23 = arith.constant 0 : index
    %get3A_24 = arith.constant 0 : index
    %get3A_25 = vector.load %arg6[%get3A_23, %get3A_24] : memref<128x128xf32, #tpu.memory_space<vmem>>, vector<128x128xf32>
    %dot_general3A_26 = arith.constant dense<0.000000e+00> : vector<1000x128xf32>
    %dot_general3A_27 = tpu.matmul %max3A_22, %get3A_25, %dot_general3A_26 {dimension_numbers = #tpu.dot_dimension_numbers<[1], [0], [0], [1], [0, 0, 1, 1], [], []>, transpose_lhs_hint = false} : vector<1000x128xf32>, vector<128x128xf32>, vector<1000x128xf32> -> vector<1000x128xf32>
    %add3A_28 = arith.addf %get3A_1, %dot_general3A_27 : vector<1000x128xf32>
    %get3A_29 = arith.constant 0 : index
    %get3A_30 = vector.load %arg7[%get3A_29] : memref<128xf32, #tpu.memory_space<vmem>>, vector<128xf32>
    %broadcast_in_dim3A_31 = vector.shape_cast %get3A_30 : vector<128xf32> to vector<1x128xf32>
    %add3A_32 = vector.broadcast %broadcast_in_dim3A_31 : vector<1x128xf32> to vector<1000x128xf32>
    %add3A_33 = arith.addf %add3A_28, %add3A_32 : vector<1000x128xf32>
    %swap3A = arith.constant 0 : index
    %swap3A_34 = arith.constant 0 : index
    %swap3A_35 = vector.load %arg8[%swap3A, %swap3A_34] : memref<1000x128xf32, #tpu.memory_space<vmem>>, vector<1000x128xf32>
    tpu.vector_store %arg8[%swap3A, %swap3A_34], %add3A_33 {strides = array<i32>} : memref<1000x128xf32, #tpu.memory_space<vmem>>, vector<1000x128xf32>,
    return
  }
  func.func @transform_0(%arg0: i32) -> (i32, i32) {
    %c0_i32 = arith.constant 0 : i32
    %c0_i32_0 = arith.constant 0 : i32
    return %arg0, %c0_i32 : i32, i32
  }
  func.func @transform_1(%arg0: i32) -> (i32, i32, i32) {
    %c0_i32 = arith.constant 0 : i32
    %c0_i32_0 = arith.constant 0 : i32
    %c0_i32_1 = arith.constant 0 : i32
    return %c0_i32, %arg0, %c0_i32_0 : i32, i32, i32
  }
  func.func @transform_2(%arg0: i32) -> (i32, i32, i32) {
    %c1_i32 = arith.constant 1 : i32
    %c0_i32 = arith.constant 0 : i32
    %c0_i32_0 = arith.constant 0 : i32
    return %c1_i32, %arg0, %c0_i32 : i32, i32, i32
  }
  func.func @transform_3(%arg0: i32) -> (i32, i32) {
    %c0_i32 = arith.constant 0 : i32
    %c0_i32_0 = arith.constant 0 : i32
    %c0_i32_1 = arith.constant 0 : i32
    return %c0_i32, %c0_i32_0 : i32, i32
  }
  func.func @transform_4(%arg0: i32) -> i32 {
    %c0_i32 = arith.constant 0 : i32
    %c0_i32_0 = arith.constant 0 : i32
    return %c0_i32 : i32
  }
  func.func @transform_5(%arg0: i32) -> (i32, i32) {
    %c0_i32 = arith.constant 0 : i32
    %c0_i32_0 = arith.constant 0 : i32
    %c0_i32_1 = arith.constant 0 : i32
    return %c0_i32, %c0_i32_0 : i32, i32
  }
  func.func @transform_6(%arg0: i32) -> i32 {
    %c0_i32 = arith.constant 0 : i32
    %c0_i32_0 = arith.constant 0 : i32
    return %c0_i32 : i32
  }
  func.func @transform_7(%arg0: i32) -> (i32, i32) {
    %c0_i32 = arith.constant 0 : i32
    %c0_i32_0 = arith.constant 0 : i32
    return %arg0, %c0_i32 : i32, i32
  }
}

module attributes {stable_mosaic.version = 14 : i64} {
  func.func @body(%arg0: i32, %arg1: memref<1x1x1000xi32, #tpu.memory_space<vmem>>, %arg2: memref<1000x128xf32, #tpu.memory_space<vmem>>, %arg3: memref<128x128xf32, #tpu.memory_space<vmem>>, %arg4: memref<128xf32, #tpu.memory_space<vmem>>, %arg5: memref<128x128xf32, #tpu.memory_space<vmem>>, %arg6: memref<128xf32, #tpu.memory_space<vmem>>, %arg7: memref<256x128xf32, #tpu.memory_space<vmem>>, %arg8: memref<256x128xf32, #tpu.memory_space<vmem>>, %arg9: memref<256x128xf32, #tpu.memory_space<vmem>>) attributes {dimension_semantics = [#tpu.dimension_semantics<arbitrary>], iteration_bounds = array<i64: 10>, scalar_prefetch = 0 : i64, scratch_operands = 2 : i64, tpu.core_type = #tpu.core_type<tc>, window_params = [{transform_indices = @transform_0, window_bounds = array<i64: 1, 1, 1000>}, {transform_indices = @transform_1, window_bounds = array<i64: 1000, 128>}, {pipeline_mode = #tpu.pipeline_mode<synchronous>, transform_indices = @transform_2, window_bounds = array<i64: 128, 128>}, {pipeline_mode = #tpu.pipeline_mode<synchronous>, transform_indices = @transform_3, window_bounds = array<i64: 128>}, {pipeline_mode = #tpu.pipeline_mode<synchronous>, transform_indices = @transform_4, window_bounds = array<i64: 128, 128>}, {pipeline_mode = #tpu.pipeline_mode<synchronous>, transform_indices = @transform_5, window_bounds = array<i64: 128>}, {pipeline_mode = #tpu.pipeline_mode<synchronous>, transform_indices = @transform_6, window_bounds = array<i64: 256, 128>}]} {
    %eq3A = arith.constant 0 : i32
    %eq3A_0 = arith.cmpi eq, %arg0, %eq3A : i32
    %convert_element_type3A = arith.extui %eq3A_0 : i1 to i32
    %cond3A = arith.constant 0 : i32
    %cond3A_1 = arith.cmpi ne, %convert_element_type3A, %cond3A : i32
    scf.if %cond3A_1 {
      %broadcast_in_dim3A_35 = arith.constant 0.000000e+00 : f32
      %broadcast_in_dim3A_36 = vector.broadcast %broadcast_in_dim3A_35 : f32 to vector<256x128xf32>
      %swap3A_37 = arith.constant 0 : index
      %swap3A_38 = arith.constant 0 : index
      %swap3A_39 = vector.load %arg8[%swap3A_37, %swap3A_38] : memref<256x128xf32, #tpu.memory_space<vmem>>, vector<256x128xf32>
      tpu.vector_store %arg8[%swap3A_37, %swap3A_38], %broadcast_in_dim3A_36 {strides = array<i32>} : memref<256x128xf32, #tpu.memory_space<vmem>>, vector<256x128xf32>,
      %broadcast_in_dim3A_40 = arith.constant 0.000000e+00 : f32
      %broadcast_in_dim3A_41 = vector.broadcast %broadcast_in_dim3A_40 : f32 to vector<256x128xf32>
      %swap3A_42 = arith.constant 0 : index
      %swap3A_43 = arith.constant 0 : index
      %swap3A_44 = vector.load %arg9[%swap3A_42, %swap3A_43] : memref<256x128xf32, #tpu.memory_space<vmem>>, vector<256x128xf32>
      tpu.vector_store %arg9[%swap3A_42, %swap3A_43], %broadcast_in_dim3A_41 {strides = array<i32>} : memref<256x128xf32, #tpu.memory_space<vmem>>, vector<256x128xf32>,
    } else {
    }
    %get3A = arith.constant 0 : index
    %get3A_2 = arith.constant 0 : index
    %get3A_3 = arith.constant 0 : index
    %get3A_4 = vector.load %arg1[%get3A, %get3A_2, %get3A_3] : memref<1x1x1000xi32, #tpu.memory_space<vmem>>, vector<1x1x1000xi32>
    %get3A_5 = vector.shape_cast %get3A_4 : vector<1x1x1000xi32> to vector<1000xi32>
    %broadcast_in_dim3A = vector.shape_cast %get3A_5 : vector<1000xi32> to vector<1x1000xi32>
    %iota3A = tpu.iota {dimensions = array<i32: 0>} : vector<256x1000xi32>
    %eq3A_6 = vector.broadcast %broadcast_in_dim3A : vector<1x1000xi32> to vector<256x1000xi32>
    %eq3A_7 = arith.cmpi eq, %eq3A_6, %iota3A : vector<256x1000xi32>
    %convert_element_type3A_8 = arith.extui %eq3A_7 : vector<256x1000xi1> to vector<256x1000xi32>
    %convert_element_type3A_9 = arith.sitofp %convert_element_type3A_8 : vector<256x1000xi32> to vector<256x1000xf32>
    %get3A_10 = arith.constant 0 : index
    %get3A_11 = arith.constant 0 : index
    %get3A_12 = vector.load %arg8[%get3A_10, %get3A_11] : memref<256x128xf32, #tpu.memory_space<vmem>>, vector<256x128xf32>
    %get3A_13 = arith.constant 0 : index
    %get3A_14 = arith.constant 0 : index
    %get3A_15 = vector.load %arg2[%get3A_13, %get3A_14] : memref<1000x128xf32, #tpu.memory_space<vmem>>, vector<1000x128xf32>
    %dot_general3A = arith.constant dense<0.000000e+00> : vector<256x128xf32>
    %dot_general3A_16 = tpu.matmul %convert_element_type3A_9, %get3A_15, %dot_general3A {dimension_numbers = #tpu.dot_dimension_numbers<[1], [0], [0], [1], [0, 0, 1, 1], [], []>, precision = #tpu.contract_precision<fp32>, transpose_lhs_hint = false} : vector<256x1000xf32>, vector<1000x128xf32>, vector<256x128xf32> -> vector<256x128xf32>
    %add3A = arith.addf %get3A_12, %dot_general3A_16 : vector<256x128xf32>
    %swap3A = arith.constant 0 : index
    %swap3A_17 = arith.constant 0 : index
    %swap3A_18 = vector.load %arg8[%swap3A, %swap3A_17] : memref<256x128xf32, #tpu.memory_space<vmem>>, vector<256x128xf32>
    tpu.vector_store %arg8[%swap3A, %swap3A_17], %add3A {strides = array<i32>} : memref<256x128xf32, #tpu.memory_space<vmem>>, vector<256x128xf32>,
    %get3A_19 = arith.constant 0 : index
    %get3A_20 = arith.constant 0 : index
    %get3A_21 = vector.load %arg9[%get3A_19, %get3A_20] : memref<256x128xf32, #tpu.memory_space<vmem>>, vector<256x128xf32>
    %broadcast_in_dim3A_22 = arith.constant 1.000000e+00 : f32
    %broadcast_in_dim3A_23 = vector.broadcast %broadcast_in_dim3A_22 : f32 to vector<1000x128xf32>
    %dot_general3A_24 = arith.constant dense<0.000000e+00> : vector<256x128xf32>
    %dot_general3A_25 = tpu.matmul %convert_element_type3A_9, %broadcast_in_dim3A_23, %dot_general3A_24 {dimension_numbers = #tpu.dot_dimension_numbers<[1], [0], [0], [1], [0, 0, 1, 1], [], []>, transpose_lhs_hint = false} : vector<256x1000xf32>, vector<1000x128xf32>, vector<256x128xf32> -> vector<256x128xf32>
    %add3A_26 = arith.addf %get3A_21, %dot_general3A_25 : vector<256x128xf32>
    %swap3A_27 = arith.constant 0 : index
    %swap3A_28 = arith.constant 0 : index
    %swap3A_29 = vector.load %arg9[%swap3A_27, %swap3A_28] : memref<256x128xf32, #tpu.memory_space<vmem>>, vector<256x128xf32>
    tpu.vector_store %arg9[%swap3A_27, %swap3A_28], %add3A_26 {strides = array<i32>} : memref<256x128xf32, #tpu.memory_space<vmem>>, vector<256x128xf32>,
    %eq3A_30 = arith.constant 9 : i32
    %eq3A_31 = arith.cmpi eq, %arg0, %eq3A_30 : i32
    %convert_element_type3A_32 = arith.extui %eq3A_31 : i1 to i32
    %cond3A_33 = arith.constant 0 : i32
    %cond3A_34 = arith.cmpi ne, %convert_element_type3A_32, %cond3A_33 : i32
    scf.if %cond3A_34 {
      %get3A_35 = arith.constant 0 : index
      %get3A_36 = arith.constant 0 : index
      %get3A_37 = vector.load %arg8[%get3A_35, %get3A_36] : memref<256x128xf32, #tpu.memory_space<vmem>>, vector<256x128xf32>
      %get3A_38 = arith.constant 0 : index
      %get3A_39 = arith.constant 0 : index
      %get3A_40 = vector.load %arg9[%get3A_38, %get3A_39] : memref<256x128xf32, #tpu.memory_space<vmem>>, vector<256x128xf32>
      %max3A = arith.constant 1.000000e+00 : f32
      %max3A_41 = vector.broadcast %max3A : f32 to vector<256x128xf32>
      %max3A_42 = arith.maximumf %get3A_40, %max3A_41 : vector<256x128xf32>
      %div3A = arith.divf %get3A_37, %max3A_42 : vector<256x128xf32>
      %get3A_43 = arith.constant 0 : index
      %get3A_44 = arith.constant 0 : index
      %get3A_45 = vector.load %arg3[%get3A_43, %get3A_44] : memref<128x128xf32, #tpu.memory_space<vmem>>, vector<128x128xf32>
      %dot_general3A_46 = arith.constant dense<0.000000e+00> : vector<256x128xf32>
      %dot_general3A_47 = tpu.matmul %div3A, %get3A_45, %dot_general3A_46 {dimension_numbers = #tpu.dot_dimension_numbers<[1], [0], [0], [1], [0, 0, 1, 1], [], []>, transpose_lhs_hint = false} : vector<256x128xf32>, vector<128x128xf32>, vector<256x128xf32> -> vector<256x128xf32>
      %get3A_48 = arith.constant 0 : index
      %get3A_49 = vector.load %arg4[%get3A_48] : memref<128xf32, #tpu.memory_space<vmem>>, vector<128xf32>
      %broadcast_in_dim3A_50 = vector.shape_cast %get3A_49 : vector<128xf32> to vector<1x128xf32>
      %add3A_51 = vector.broadcast %broadcast_in_dim3A_50 : vector<1x128xf32> to vector<256x128xf32>
      %add3A_52 = arith.addf %dot_general3A_47, %add3A_51 : vector<256x128xf32>
      %ge3A = arith.constant 0.000000e+00 : f32
      %ge3A_53 = vector.broadcast %ge3A : f32 to vector<256x128xf32>
      %ge3A_54 = arith.cmpf oge, %add3A_52, %ge3A_53 : vector<256x128xf32>
      %mul3A = arith.constant 0.00999999977 : f32
      %mul3A_55 = vector.broadcast %mul3A : f32 to vector<256x128xf32>
      %mul3A_56 = arith.mulf %mul3A_55, %add3A_52 : vector<256x128xf32>
      %select_n3A = arith.select %ge3A_54, %add3A_52, %mul3A_56 : vector<256x128xi1>, vector<256x128xf32>
      %get3A_57 = arith.constant 0 : index
      %get3A_58 = arith.constant 0 : index
      %get3A_59 = vector.load %arg5[%get3A_57, %get3A_58] : memref<128x128xf32, #tpu.memory_space<vmem>>, vector<128x128xf32>
      %dot_general3A_60 = arith.constant dense<0.000000e+00> : vector<256x128xf32>
      %dot_general3A_61 = tpu.matmul %select_n3A, %get3A_59, %dot_general3A_60 {dimension_numbers = #tpu.dot_dimension_numbers<[1], [0], [0], [1], [0, 0, 1, 1], [], []>, transpose_lhs_hint = false} : vector<256x128xf32>, vector<128x128xf32>, vector<256x128xf32> -> vector<256x128xf32>
      %get3A_62 = arith.constant 0 : index
      %get3A_63 = vector.load %arg6[%get3A_62] : memref<128xf32, #tpu.memory_space<vmem>>, vector<128xf32>
      %broadcast_in_dim3A_64 = vector.shape_cast %get3A_63 : vector<128xf32> to vector<1x128xf32>
      %add3A_65 = vector.broadcast %broadcast_in_dim3A_64 : vector<1x128xf32> to vector<256x128xf32>
      %add3A_66 = arith.addf %dot_general3A_61, %add3A_65 : vector<256x128xf32>
      %swap3A_67 = arith.constant 0 : index
      %swap3A_68 = arith.constant 0 : index
      %swap3A_69 = vector.load %arg7[%swap3A_67, %swap3A_68] : memref<256x128xf32, #tpu.memory_space<vmem>>, vector<256x128xf32>
      tpu.vector_store %arg7[%swap3A_67, %swap3A_68], %add3A_66 {strides = array<i32>} : memref<256x128xf32, #tpu.memory_space<vmem>>, vector<256x128xf32>,
    } else {
    }
    return
  }
  func.func @transform_0(%arg0: i32) -> (i32, i32, i32) {
    %c0_i32 = arith.constant 0 : i32
    %c0_i32_0 = arith.constant 0 : i32
    %c0_i32_1 = arith.constant 0 : i32
    return %arg0, %c0_i32, %c0_i32_0 : i32, i32, i32
  }
  func.func @transform_1(%arg0: i32) -> (i32, i32) {
    %c0_i32 = arith.constant 0 : i32
    %c0_i32_0 = arith.constant 0 : i32
    return %arg0, %c0_i32 : i32, i32
  }
  func.func @transform_2(%arg0: i32) -> (i32, i32) {
    %c0_i32 = arith.constant 0 : i32
    %c0_i32_0 = arith.constant 0 : i32
    %c0_i32_1 = arith.constant 0 : i32
    return %c0_i32, %c0_i32_0 : i32, i32
  }
  func.func @transform_3(%arg0: i32) -> i32 {
    %c0_i32 = arith.constant 0 : i32
    %c0_i32_0 = arith.constant 0 : i32
    return %c0_i32 : i32
  }
  func.func @transform_4(%arg0: i32) -> (i32, i32) {
    %c0_i32 = arith.constant 0 : i32
    %c0_i32_0 = arith.constant 0 : i32
    %c0_i32_1 = arith.constant 0 : i32
    return %c0_i32, %c0_i32_0 : i32, i32
  }
  func.func @transform_5(%arg0: i32) -> i32 {
    %c0_i32 = arith.constant 0 : i32
    %c0_i32_0 = arith.constant 0 : i32
    return %c0_i32 : i32
  }
  func.func @transform_6(%arg0: i32) -> (i32, i32) {
    %c0_i32 = arith.constant 0 : i32
    %c0_i32_0 = arith.constant 0 : i32
    %c0_i32_1 = arith.constant 0 : i32
    return %c0_i32, %c0_i32_0 : i32, i32
  }
}

</mosaic_0001>

<sc_bundles>
// kernel: kernel.10.cloned.1.call-start
scs
__scs_entry_jumppad:
0x0: {  	(pc) =	sbr.rel $0x88, $3  }
0x1: {  	(tag) =	ssettag $0x0;
	lr =	simm.s32 $0x1  }
0x2: {  	[smem:$0x3F8E] =	sst lr;
	_ =	strace $0xD0000000  }
0x3: {  	_ = 	snop  }
0x4: {  	_ = 	snop  }
0x5: {  	_ = 	snop  }
0x6: {  	_ = 	snop  }
0x7: {  	_ = 	snop  }
__scs_overlays_trampoline_lowered:
0x8: {  	[smem:$0x3F9D] =	sst s0  }
0x9: {  	[smem:$0x3F9E] =	sst s1  }
0xa: {  	[smem:$0x3F9F] =	sst s2  }
0xb: {  	[smem:$0x3FA0] =	sst s3  }
0xc: {  	[smem:$0x3FA1] =	sst s4  }
0xd: {  	[smem:$0x3FA2] =	sst s5  }
0xe: {  	[smem:$0x3FA3] =	sst s6  }
0xf: {  	[smem:$0x3FA4] =	sst s7  }
0x10: {  	[smem:$0x3FA5] =	sst s8  }
0x11: {  	[smem:$0x3FA6] =	sst s9;
	s0 =	simm.s32 @!p0 $0x0  }
0x12: {  	s1 =	sld [smem:$0x3F8C];
	s0 =	simm.s32 @p0 $0x1  }
0x13: {  	[smem:$0x3FA7] =	sst s0;
	s0 =	simm.s32 @!p1 $0x0  }
0x14: {  	s2 =	sld [smem:$0x3F8B];
	s0 =	simm.s32 @p1 $0x1  }
0x15: {  	[smem:$0x3FA8] =	sst s0;
	s0 =	simm.s32 @!p2 $0x0  }
0x16: {  	s3 =	sld [smem:$0x3FDB];
	s0 =	simm.s32 @p2 $0x1  }
0x17: {  	s4 =	simm.s32 $0x1BF5;
	[smem:$0x3FAA] =	sst s0  }
0x18: {  	s0 =	sld [smem:$0x3F8D];
	_ =	swait.ge [sflag:s4], $0x0  }
0x19: {  	s7 =	sld [smem:$0x3F8E]  }
0x1a: {  	s8 =	sadd.s32 $0xFFFFE003, lr  }
0x1b: {  	s9 =	sadd.s32 $0xFFFFFEF7, lr;
	s5 =	simm.s32 $0xFFFFFFFF;
	p2 =	slt.u32 s8, $0xFFFFF086  }
0x1c: {  	p1 =	slt.u32 s9, $0xF7A;
	s5 =	simm.s32 @!p2 $0x0  }
0x1d: {  	s5 =	simm.s32 @p1 $0x1;
	p0 =	seq.s32 s7, s2  }
0x1e: {  	s7 =	smul.u32 @!p0 $0xF7A, s2;
	p2 =	seq.s32 @!p0 s5, $0x0  }
0x1f: {  	s9 =	smul.u32 $0xF7A, s1;
	s8 =	simm.s32 @!p0 $0x1BF5;
	p2 =	por !p2, p0  }
0x20: {  	[sflag:s8] =	ssyncset.s32 @!p0 $0xFFFFF086;
	s6 =	sadd.s32 @!p0 s3, s7;
	s7 =	simm.s32 @!p0 $0x108  }
0x21: {  	s3 =	sadd.s32 s3, s9;
	s6 =	sadd.s32 @!p0 $0x88, s6;
	s7 =	simm.s32 @p2 $0x1082  }
0x22: {  	[simem:s7], [sflag:s8] =	dma.local @!p0 [hbm:s6], $0xF7A  }
0x23: {  	s9 =	sor.u32 $0xD0000000, s2;
	s6 =	simm.s32 $0x108;
	_ =	swait.ge @!p0 [sflag:s8], $0x0  }
0x24: {  	s3 =	sadd.s32 $0x88, s3;
	s6 =	simm.s32 @!p1 $0x1082;
	[sflag:s4] =	ssyncset.s32 $0xFFFFF086  }
0x25: {  	[simem:s6], [sflag:s4] =	dma.local [hbm:s3], $0xF7A  }
0x26: {  	[smem:$0x3F8E] =	sst s1;
	(tag) =	ssettag s2;
	_ =	strace s9  }
0x27: {  	s1 =	sld [smem:$0x3F9E]  }
0x28: {  	s2 =	sld [smem:$0x3F9F]  }
0x29: {  	s4 =	sld [smem:$0x3FA1]  }
0x2a: {  	p0 =	seq.s32 s5, $0x0;
	s5 =	sld [smem:$0x3FA2]  }
0x2b: {  	s6 =	sld [smem:$0x3FA3]  }
0x2c: {  	s7 =	sld [smem:$0x3FA4]  }
0x2d: {  	s3 =	simm.s32 $0x108;
	s8 =	sld [smem:$0x3FA5]  }
0x2e: {  	s3 =	simm.s32 @!p0 $0x1082;
	s9 =	sld [smem:$0x3FA6]  }
0x2f: {  	lr =	sadd.s32 s0, s3;
	s0 =	sld [smem:$0x3F9D]  }
0x30: {  	s3 =	sld [smem:$0x3FA0]  }
0x31: {  	[smem:$0x3FA9] =	sst s10  }
0x32: {  	s10 =	sld [smem:$0x3FA7];
	_ =	sdelay $0x3  }
0x33: {  	p0 =	seq.s32 s10, $0x1;
	s10 =	sld [smem:$0x3FA9];
	_ =	sdelay $0x3  }
0x34: {  	[smem:$0x3FA9] =	sst s10  }
0x35: {  	s10 =	sld [smem:$0x3FA8];
	_ =	sdelay $0x3  }
0x36: {  	p1 =	seq.s32 s10, $0x1;
	s10 =	sld [smem:$0x3FA9];
	_ =	sdelay $0x3  }
0x37: {  	[smem:$0x3FA9] =	sst s10  }
0x38: {  	s10 =	sld [smem:$0x3FAA]  }
0x39: {  	_ = 	snop;
	(pc) =	sbr.ind lr, $3  }
0x3a: {  	_ = 	snop  }
0x3b: {  	_ = 	snop  }
0x3c: {  	p2 =	seq.s32 s10, $0x1;
	s10 =	sld [smem:$0x3FA9]  }
0x3d: {  	_ =	shalt  }
0x3e: {  	_ =	shalt  }
0x3f: {  	_ =	shalt  }
0x40: {  	_ =	shalt  }
0x41: {  	_ =	shalt  }
0x42: {  	_ =	shalt  }
0x43: {  	_ =	shalt  }
0x44: {  	_ =	shalt  }
0x45: {  	_ =	shalt  }
0x46: {  	_ =	shalt  }
0x47: {  	_ =	shalt  }
0x48: {  	_ =	shalt  }
0x49: {  	_ =	shalt  }
0x4a: {  	_ =	shalt  }
0x4b: {  	_ =	shalt  }
0x4c: {  	_ =	shalt  }
0x4d: {  	_ =	shalt  }
0x4e: {  	_ =	shalt  }
0x4f: {  	_ =	shalt  }
0x50: {  	_ =	shalt  }
0x51: {  	_ =	shalt  }
0x52: {  	_ =	shalt  }
0x53: {  	_ =	shalt  }
0x54: {  	_ =	shalt  }
0x55: {  	_ =	shalt  }
0x56: {  	_ =	shalt  }
0x57: {  	_ =	shalt  }
0x58: {  	_ =	shalt  }
0x59: {  	_ =	shalt  }
0x5a: {  	_ =	shalt  }
0x5b: {  	_ =	shalt  }
0x5c: {  	_ =	shalt  }
0x5d: {  	_ =	shalt  }
0x5e: {  	_ =	shalt  }
0x5f: {  	_ =	shalt  }
0x60: {  	_ =	shalt  }
0x61: {  	_ =	shalt  }
0x62: {  	_ =	shalt  }
0x63: {  	_ =	shalt  }
0x64: {  	_ =	shalt  }
0x65: {  	_ =	shalt  }
0x66: {  	_ =	shalt  }
0x67: {  	_ =	shalt  }
0x68: {  	_ =	shalt  }
0x69: {  	_ =	shalt  }
0x6a: {  	_ =	shalt  }
0x6b: {  	_ =	shalt  }
0x6c: {  	_ =	shalt  }
0x6d: {  	_ =	shalt  }
0x6e: {  	_ =	shalt  }
0x6f: {  	_ =	shalt  }
0x70: {  	_ =	shalt  }
0x71: {  	_ =	shalt  }
0x72: {  	_ =	shalt  }
0x73: {  	_ =	shalt  }
0x74: {  	_ =	shalt  }
0x75: {  	_ =	shalt  }
0x76: {  	_ =	shalt  }
0x77: {  	_ =	shalt  }
0x78: {  	_ =	shalt  }
0x79: {  	_ =	shalt  }
0x7a: {  	_ =	shalt  }
0x7b: {  	_ =	shalt  }
0x7c: {  	_ =	shalt  }
0x7d: {  	_ =	shalt  }
0x7e: {  	_ =	shalt  }
0x7f: {  	_ =	shalt  }
0x80: {  	_ =	shalt  }
0x81: {  	_ =	shalt  }
0x82: {  	_ =	shalt  }
0x83: {  	_ =	shalt  }
0x84: {  	_ =	shalt  }
0x85: {  	_ =	shalt  }
0x86: {  	_ =	shalt  }
0x87: {  	_ =	shalt  }
.Lfunc_end0:
.L_simem_size_0:
called_computation_lowered:
.L_overlay_start_0:
0x88: {  	s2 =	sld [smem:$0x3FD9]  }
0x89: {  	s3 =	sld [smem:$0x3FFE];
	_ =	sdelay $0x1  }
0x8a: {  	s1 =	srdreg.scid  }
0x8b: {  	s0 =	sand.u32 $0x1, s1  }
0x8c: {  	s17 =	sshll.u32 s0, $0xA;
	s2 =	sadd.s32 s3, s2  }
0x8d: {  	s2 =	sadd.s32 s2, s17  }
0x8e: {  	[smem:$0x3FB5] =	sst s2  }
0x8f: {  	_ = 	snop  }
0x90: {  	s2 =	sld [smem:$0x3FC9];
	(tm) =	ssettm $0x1  }
0x91: {  	s18 =	sld [smem:$0x3FFB];
	_ =	sdelay $0x3  }
0x92: {  	_ =	strace s18  }
0x93: {  	s3 =	sld [smem:$0x3FFC];
	_ =	sdelay $0x3  }
0x94: {  	_ =	strace s3  }
0x95: {  	s3 =	sld [smem:$0x3FFD];
	_ =	sdelay $0x3  }
0x96: {  	_ =	strace s3  }
0x97: {  	_ =	strace $0x8FFFFFFF  }
0x98: {  	s19 =	sld [smem:$0x3FDB];
	_ =	sdelay $0x1  }
0x99: {  	s4 =	simm.s32 $_scs_section_size  }
0x9a: {  	s5 =	simm.s32 $_size__tile_overlayer_lowered;
	s6 =	simm.s32 $_tile_overlayer_lowered  }
0x9b: {  	s22 =	simm.s32 $0x1BFF;
	s21 =	sshll.u32 s6, $0x1;
	s3 =	sadd.s32 s4, s19  }
0x9c: {  	s7 =	simm.s32 $0x0;
	s20 =	sshll.u32 s5, $0x1;
	s5 =	sadd.s32 s21, s3  }
0x9d: {  	[timem:s7], [sflag:s22] =	dma.local [hbm:s5], s20  }
0x9e: {  	_ =	swait.ge [sflag:s22], s20  }
0x9f: {  	s4 =	ssub.s32 $0x0, s20;
	[sflag:s22] =	ssyncset.done $0x0  }
0xa0: {  	[sflag:s22] =	ssyncadd.s32 s4;
	_ =	sdelay $0x1  }
0xa1: {  	s23 =	simm.s32 $0x1B8B  }
0xa2: {  	_ =	swait.ge [sflag:s23], $0x1  }
0xa3: {  	[sflag:s23] =	ssyncset.done $0x0  }
0xa4: {  	s25 =	simm.s32 $0x1B8E;
	s24 =	sld [smem:$0x3FFE];
	[sflag:s23] =	ssyncadd.s32 $0xFFFFFFFF  }
0xa5: {  	s26 =	simm.s32 $execute0_lowered;
	[smem:$0x3FD2] =	sst s25  }
0xa6: {  	s5 =	sshll.u32 s26, $0x1;
	_ =	strace $0x80000046;
	[dreg:$0x1] =	wrdreg $0xFFFFFFFF  }
0xa7: {  	s28 =	simm.s32 $_size_execute0_lowered;
	s3 =	sadd.s32 s3, s5;
	[dreg:$0x0] =	wrdreg $0x0  }
0xa8: {  	s5 =	sshll.u32 s28, $0x1;
	[dreg:$0x2] =	wrdreg s3  }
0xa9: {  	[dreg:$0x3] =	wrdreg s5  }
0xaa: {  	[dreg:$0x4] =	wrdreg $0xC0  }
0xab: {  	_ =	task [dreg:s7], $0x5FFFF  }
0xac: {  	[dreg:$0x1] =	wrdreg $0xFFFFFFFF  }
0xad: {  	[dreg:$0x0] =	wrdreg $0x60  }
0xae: {  	[dreg:$0x2] =	wrdreg s2  }
0xaf: {  	[dreg:$0x3] =	wrdreg s24  }
0xb0: {  	[dreg:$0x4] =	wrdreg $0x88000  }
0xb1: {  	[dreg:$0x5] =	wrdreg $0x9  }
0xb2: {  	_ =	task.clear_ibuf [dreg:s7], $0x6FFFF;
	_ =	strace $0x90000046  }
0xb3: {  	s29 =	simm.s32 $0x9;
	_ =	strace $0x80000048  }
0xb4: {  	_ =	swait.ge [sflag:s29], $0x1  }
0xb5: {  	[sflag:s29] =	ssyncadd.s32 $0xFFFFFFFF  }
0xb6: {  	_ =	strace $0x90000048  }
0xb7: {  	_ =	sfence  }
0xb8: {  	s30 =	sld [smem:$0x0];
	_ =	sdelay $0x2  }
0xb9: {  	s31 =	sshll.u32 s1, $0xD;
	s1 =	sshrl.u32 s1, $0x2  }
0xba: {  	s3 =	sand.u32 $0x4000, s31;
	s1 =	sadd.s32 s1, s30  }
0xbb: {  	s0 =	sor.u32 s3, s0;
	s1 =	sshll.u32 s1, $0x11  }
0xbc: {  	s0 =	sor.u32 s1, s0  }
0xbd: {  	s0 =	sadd.s32 $0x8F2B, s0  }
0xbe: {  	[sflag:s0] =	ssyncadd.remote.s32 $0x1  }
0xbf: {  	_ =	sfence.sel $0xFFFF  }
0xc0: {  	[dreg:$0x0] =	wrdreg $0xFFFFFFFF;
	(pc) =	sbr.abs _section_cstart, $3  }
0xc1: {  	[dreg:$0x1] =	wrdreg $0xFFFFFFFF  }
0xc2: {  	_ =	task.clear_ibuf [dreg:s7], $0x2FFFF;
	_ =	strace $0x9FFFFFFF  }
0xc3: {  	(tm) =	ssettm $0x7FFFFFFF  }
tec
execute0_lowered:
.L_overlay_start_1:
0x0: {  	(tag) =	ssettag $0x1  }
0x1: {  	s1 =	rddreg [dreg:$0x0]  }
0x2: {  	s0 =	srdreg.scid;
	s2 =	rddreg [dreg:$0x1]  }
0x3: {  	s8 =	stileid.u32;
	s3 =	rddreg [dreg:$0x2];
	s4 =	simm.s32 $0x0  }
0x4: {  	s12 =	simm.s32 $0x2;
	s13 =	simm.s32 $0x400;
	s14 =	simm.s32 $0x80  }
0x5: {  	s15 =	simm.s32 $0x800;
	s16 =	simm.s32 $0x1;
	s17 =	simm.s32 $0x4800  }
0x6: {  	s18 =	simm.s32 $0x100;
	s19 =	simm.s32 $0x480;
	s20 =	simm.s32 $0x180  }
0x7: {  	s21 =	simm.s32 $0x500;
	s28 =	simm.s32 $0x680;
	s5 =	smul.u32 $0x5800, s8  }
0x8: {  	s29 =	simm.s32 $0x380;
	s30 =	simm.s32 $0x700;
	s22 =	smul.u32 $0x14000, s8  }
0x9: {  	s31 =	simm.s32 $0x780;
	s0 =	sand.u32 $0x1, s0;
	s23 =	smul.u32 $0x50000, s8  }
0xa: {  	[smem:$0x7FF] =	sst s4;
	s9 =	sadd.s32 $0x2C00, s2;
	s6 =	smul.u32 $0x2C00, s0  }
0xb: {  	s26 =	sshll.u32 s8, $0x6;
	s7 =	smul.u32 $0x140000, s0;
	s0 =	ssub.s32 $0x2, s0  }
0xc: {  	_ =	strace $0x80000047;
	[dreg:$0x4] =	wrdreg s9;
	s24 =	sshrl.u32 s0, $0x1  }
0xd: {  	s25 =	sshrl.u32 s23, $0x2;
	s23 =	simm.s32 $0x580;
	s5 =	sadd.s32 s6, s5  }
0xe: {  	s6 =	sadd.s32 s22, s7;
	s0 =	ssub.s32 s0, s24;
	s11 =	sadd.s32 s25, s3  }
0xf: {  	s22 =	simm.s32 $0x200;
	s24 =	simm.s32 $0x280;
	s25 =	simm.s32 $0x600  }
0x10: {  	s5 =	sshrl.u32 s5, $0x3;
	s6 =	sshrl.u32 s6, $0x3;
	s0 =	smax.u32 s0, $0x1  }
0x11: {  	s5 =	sadd.s32 s5, s2;
	s2 =	sadd.s32 s6, s2;
	s6 =	sor.u32 $0x1C02, s26  }
0x12: {  	[dreg:$0x6] =	wrdreg s0;
	s2 =	sadd.s32 $0x22A00, s2;
	s9 =	sadd.s32 $0x17A00, s5  }
0x13: {  	s10 =	sadd.s32 $0xCA00, s5;
	s5 =	sshrl.u32 s11, $0x3;
	[dreg:$0x5] =	wrdreg s2  }
0x14: {  	s26 =	simm.s32 $0x300;
	s2 =	simm.s32 $0x0;
	[dreg:$0x7] =	wrdreg s5  }
.LBB2_1:
0x15: {  	s0 =	rddreg [dreg:$0x4]  }
0x16: {  	[spmem:s5], [sflag:s6] =	dma.local [hbm:s0], $0x2800  }
0x17: {  	_ =	swait.ge [sflag:s12], $0x2800  }
0x18: {  	[sflag:s12] =	ssyncset.done $0x0  }
0x19: {  	[sflag:s12] =	ssyncadd.s32 $0xFFFFD800  }
0x1a: {  	s7 =	sadd.s32 $0x0, s10;
	[bflag:$0x0] =	sbarrier.arrive $0xFFFF  }
0x1b: {  	[tilespmem:s4], [sflag:$0x2] =	stream.linear.gather [hbm4b:s7+s4], $0x400, $0x38;
	[tilespmem:$0x1C800] =	vst v63  }
0x1c: {  	_ =	swait.ge [sflag:s12], $0x400  }
0x1d: {  	[sflag:s12] =	ssyncset.done $0x0  }
0x1e: {  	s8 =	sadd.s32 $0x0, s9;
	[sflag:s12] =	ssyncadd.s32 $0xFFFFFC00  }
0x1f: {  	[tilespmem:s13], [sflag:$0x2] =	stream.linear.gather [hbm4b:s8+s4], $0x400, $0x38;
	[tilespmem:$0x1C800] =	vst v63  }
0x20: {  	_ =	swait.ge [sflag:s12], $0x400  }
0x21: {  	[sflag:s12] =	ssyncset.done $0x0  }
0x22: {  	[sflag:s12] =	ssyncadd.s32 $0xFFFFFC00  }
0x23: {  	[tilespmem:s15], [sflag:$0x1] =	stream.indirect.gather [hbm4b:s1+s14], $0x80, s4, s14, $0xb8;
	[tilespmem:$0x1C800] =	vst v63  }
0x24: {  	_ =	swait.ge [sflag:s16], $0x4000  }
0x25: {  	[sflag:s16] =	ssyncset.done $0x0  }
0x26: {  	[sflag:s16] =	ssyncadd.s32 $0xFFFFC000  }
0x27: {  	[tilespmem:s17], [sflag:$0x1] =	stream.indirect.gather [hbm4b:s1+s14], $0x80, s14, s14, $0xb8;
	[tilespmem:$0x1C800] =	vst v63  }
0x28: {  	_ = 	snop  }
0x29: {  	[spmem:s3] =	stream.indirect.scatter.add.f32 [tilespmem:s15], [sflag:$0x2], $0x80, s13, s14, $0xb8;
	[tilespmem:$0x1C800] =	vst v63  }
0x2a: {  	_ =	swait.ge [sflag:s12], $0x4000  }
0x2b: {  	[sflag:s12] =	ssyncset.done $0x0  }
0x2c: {  	[sflag:s12] =	ssyncadd.s32 $0xFFFFC000  }
0x2d: {  	_ =	swait.ge [sflag:s16], $0x4000  }
0x2e: {  	[sflag:s16] =	ssyncset.done $0x0  }
0x2f: {  	[sflag:s16] =	ssyncadd.s32 $0xFFFFC000  }
0x30: {  	[tilespmem:s15], [sflag:$0x1] =	stream.indirect.gather [hbm4b:s1+s14], $0x80, s18, s14, $0xb8;
	[tilespmem:$0x1C800] =	vst v63  }
0x31: {  	_ = 	snop  }
0x32: {  	[spmem:s3] =	stream.indirect.scatter.add.f32 [tilespmem:s17], [sflag:$0x2], $0x80, s19, s14, $0xb8;
	[tilespmem:$0x1C800] =	vst v63  }
0x33: {  	_ =	swait.ge [sflag:s12], $0x4000  }
0x34: {  	[sflag:s12] =	ssyncset.done $0x0  }
0x35: {  	[sflag:s12] =	ssyncadd.s32 $0xFFFFC000  }
0x36: {  	_ =	swait.ge [sflag:s16], $0x4000  }
0x37: {  	[sflag:s16] =	ssyncset.done $0x0  }
0x38: {  	[sflag:s16] =	ssyncadd.s32 $0xFFFFC000  }
0x39: {  	[tilespmem:s17], [sflag:$0x1] =	stream.indirect.gather [hbm4b:s1+s14], $0x80, s20, s14, $0xb8;
	[tilespmem:$0x1C800] =	vst v63  }
0x3a: {  	_ = 	snop  }
0x3b: {  	[spmem:s3] =	stream.indirect.scatter.add.f32 [tilespmem:s15], [sflag:$0x2], $0x80, s21, s14, $0xb8;
	[tilespmem:$0x1C800] =	vst v63  }
0x3c: {  	_ =	swait.ge [sflag:s12], $0x4000  }
0x3d: {  	[sflag:s12] =	ssyncset.done $0x0  }
0x3e: {  	[sflag:s12] =	ssyncadd.s32 $0xFFFFC000  }
0x3f: {  	_ =	swait.ge [sflag:s16], $0x4000  }
0x40: {  	[sflag:s16] =	ssyncset.done $0x0  }
0x41: {  	[sflag:s16] =	ssyncadd.s32 $0xFFFFC000  }
0x42: {  	[tilespmem:s15], [sflag:$0x1] =	stream.indirect.gather [hbm4b:s1+s14], $0x80, s22, s14, $0xb8;
	[tilespmem:$0x1C800] =	vst v63  }
0x43: {  	_ = 	snop  }
0x44: {  	[spmem:s3] =	stream.indirect.scatter.add.f32 [tilespmem:s17], [sflag:$0x2], $0x80, s23, s14, $0xb8;
	[tilespmem:$0x1C800] =	vst v63  }
0x45: {  	_ =	swait.ge [sflag:s12], $0x4000  }
0x46: {  	[sflag:s12] =	ssyncset.done $0x0  }
0x47: {  	[sflag:s12] =	ssyncadd.s32 $0xFFFFC000  }
0x48: {  	_ =	swait.ge [sflag:s16], $0x4000  }
0x49: {  	[sflag:s16] =	ssyncset.done $0x0  }
0x4a: {  	[sflag:s16] =	ssyncadd.s32 $0xFFFFC000  }
0x4b: {  	[tilespmem:s17], [sflag:$0x1] =	stream.indirect.gather [hbm4b:s1+s14], $0x80, s24, s14, $0xb8;
	[tilespmem:$0x1C800] =	vst v63  }
0x4c: {  	_ = 	snop  }
0x4d: {  	[spmem:s3] =	stream.indirect.scatter.add.f32 [tilespmem:s15], [sflag:$0x2], $0x80, s25, s14, $0xb8;
	[tilespmem:$0x1C800] =	vst v63  }
0x4e: {  	_ =	swait.ge [sflag:s12], $0x4000  }
0x4f: {  	[sflag:s12] =	ssyncset.done $0x0  }
0x50: {  	[sflag:s12] =	ssyncadd.s32 $0xFFFFC000  }
0x51: {  	_ =	swait.ge [sflag:s16], $0x4000  }
0x52: {  	[sflag:s16] =	ssyncset.done $0x0  }
0x53: {  	[sflag:s16] =	ssyncadd.s32 $0xFFFFC000  }
0x54: {  	[tilespmem:s15], [sflag:$0x1] =	stream.indirect.gather [hbm4b:s1+s14], $0x80, s26, s14, $0xb8;
	[tilespmem:$0x1C800] =	vst v63  }
0x55: {  	_ = 	snop  }
0x56: {  	[spmem:s3] =	stream.indirect.scatter.add.f32 [tilespmem:s17], [sflag:$0x2], $0x80, s28, s14, $0xb8;
	[tilespmem:$0x1C800] =	vst v63  }
0x57: {  	_ =	swait.ge [sflag:s12], $0x4000  }
0x58: {  	[sflag:s12] =	ssyncset.done $0x0  }
0x59: {  	[sflag:s12] =	ssyncadd.s32 $0xFFFFC000  }
0x5a: {  	_ =	swait.ge [sflag:s16], $0x4000  }
0x5b: {  	[sflag:s16] =	ssyncset.done $0x0  }
0x5c: {  	[sflag:s16] =	ssyncadd.s32 $0xFFFFC000  }
0x5d: {  	[tilespmem:s17], [sflag:$0x1] =	stream.indirect.gather [hbm4b:s1+s14], $0x80, s29, s14, $0xb8;
	[tilespmem:$0x1C800] =	vst v63  }
0x5e: {  	_ = 	snop  }
0x5f: {  	[spmem:s3] =	stream.indirect.scatter.add.f32 [tilespmem:s15], [sflag:$0x2], $0x80, s30, s14, $0xb8;
	[tilespmem:$0x1C800] =	vst v63  }
0x60: {  	_ =	swait.ge [sflag:s12], $0x4000  }
0x61: {  	[sflag:s12] =	ssyncset.done $0x0  }
0x62: {  	[sflag:s12] =	ssyncadd.s32 $0xFFFFC000  }
0x63: {  	_ =	swait.ge [sflag:s16], $0x4000  }
0x64: {  	[sflag:s16] =	ssyncset.done $0x0  }
0x65: {  	[sflag:s16] =	ssyncadd.s32 $0xFFFFC000  }
0x66: {  	[spmem:s3] =	stream.indirect.scatter.add.f32 [tilespmem:s17], [sflag:$0x2], $0x80, s31, s14, $0xb8;
	[tilespmem:$0x1C800] =	vst v63  }
0x67: {  	s11 =	smov.u32 s6;
	_ =	swait.ge [sflag:s12], $0x4000  }
0x68: {  	s0 =	simm.s32 $0x80;
	s5 =	simm.s32 $0x100;
	[sflag:s12] =	ssyncset.done $0x0  }
.LBB2_2:
0x69: {  	s8 =	sadd.s32 s0, s10  }
0x6a: {  	[sflag:s12] =	ssyncadd.s32 $0xFFFFC000;
	s6 =	smov.u32 s5;
	s7 =	sadd.s32 $0x80, s5  }
0x6b: {  	[tilespmem:s4], [sflag:$0x2] =	stream.linear.gather [hbm4b:s8+s4], $0x400, $0x38;
	[tilespmem:$0x1C800] =	vst v63  }
0x6c: {  	p0 =	sne.s32 s5, $0x500;
	_ =	swait.ge [sflag:s12], $0x400  }
0x6d: {  	[sflag:s12] =	ssyncset.done $0x0  }
0x6e: {  	s5 =	sadd.s32 s0, s9;
	s0 =	smov.u32 s6;
	[sflag:s12] =	ssyncadd.s32 $0xFFFFFC00  }
0x6f: {  	[tilespmem:s13], [sflag:$0x2] =	stream.linear.gather [hbm4b:s5+s4], $0x400, $0x38;
	[tilespmem:$0x1C800] =	vst v63  }
0x70: {  	_ =	swait.ge [sflag:s12], $0x400  }
0x71: {  	[sflag:s12] =	ssyncset.done $0x0  }
0x72: {  	[sflag:s12] =	ssyncadd.s32 $0xFFFFFC00  }
0x73: {  	[tilespmem:s15], [sflag:$0x1] =	stream.indirect.gather [hbm4b:s1+s14], $0x80, s4, s14, $0xb8;
	[tilespmem:$0x1C800] =	vst v63  }
0x74: {  	_ =	swait.ge [sflag:s16], $0x4000  }
0x75: {  	[sflag:s16] =	ssyncset.done $0x0  }
0x76: {  	[sflag:s16] =	ssyncadd.s32 $0xFFFFC000  }
0x77: {  	[tilespmem:s17], [sflag:$0x1] =	stream.indirect.gather [hbm4b:s1+s14], $0x80, s14, s14, $0xb8;
	[tilespmem:$0x1C800] =	vst v63  }
0x78: {  	_ = 	snop  }
0x79: {  	[spmem:s3] =	stream.indirect.scatter.add.f32 [tilespmem:s15], [sflag:$0x2], $0x80, s13, s14, $0xb8;
	[tilespmem:$0x1C800] =	vst v63  }
0x7a: {  	_ =	swait.ge [sflag:s12], $0x4000  }
0x7b: {  	[sflag:s12] =	ssyncset.done $0x0  }
0x7c: {  	[sflag:s12] =	ssyncadd.s32 $0xFFFFC000  }
0x7d: {  	_ =	swait.ge [sflag:s16], $0x4000  }
0x7e: {  	[sflag:s16] =	ssyncset.done $0x0  }
0x7f: {  	[sflag:s16] =	ssyncadd.s32 $0xFFFFC000  }
0x80: {  	[tilespmem:s15], [sflag:$0x1] =	stream.indirect.gather [hbm4b:s1+s14], $0x80, s18, s14, $0xb8;
	[tilespmem:$0x1C800] =	vst v63  }
0x81: {  	_ = 	snop  }
0x82: {  	[spmem:s3] =	stream.indirect.scatter.add.f32 [tilespmem:s17], [sflag:$0x2], $0x80, s19, s14, $0xb8;
	[tilespmem:$0x1C800] =	vst v63  }
0x83: {  	_ =	swait.ge [sflag:s12], $0x4000  }
0x84: {  	[sflag:s12] =	ssyncset.done $0x0  }
0x85: {  	[sflag:s12] =	ssyncadd.s32 $0xFFFFC000  }
0x86: {  	_ =	swait.ge [sflag:s16], $0x4000  }
0x87: {  	[sflag:s16] =	ssyncset.done $0x0  }
0x88: {  	[sflag:s16] =	ssyncadd.s32 $0xFFFFC000  }
0x89: {  	[tilespmem:s17], [sflag:$0x1] =	stream.indirect.gather [hbm4b:s1+s14], $0x80, s20, s14, $0xb8;
	[tilespmem:$0x1C800] =	vst v63  }
0x8a: {  	_ = 	snop  }
0x8b: {  	[spmem:s3] =	stream.indirect.scatter.add.f32 [tilespmem:s15], [sflag:$0x2], $0x80, s21, s14, $0xb8;
	[tilespmem:$0x1C800] =	vst v63  }
0x8c: {  	_ =	swait.ge [sflag:s12], $0x4000  }
0x8d: {  	[sflag:s12] =	ssyncset.done $0x0  }
0x8e: {  	[sflag:s12] =	ssyncadd.s32 $0xFFFFC000  }
0x8f: {  	_ =	swait.ge [sflag:s16], $0x4000  }
0x90: {  	[sflag:s16] =	ssyncset.done $0x0  }
0x91: {  	[sflag:s16] =	ssyncadd.s32 $0xFFFFC000  }
0x92: {  	[tilespmem:s15], [sflag:$0x1] =	stream.indirect.gather [hbm4b:s1+s14], $0x80, s22, s14, $0xb8;
	[tilespmem:$0x1C800] =	vst v63  }
0x93: {  	_ = 	snop  }
0x94: {  	[spmem:s3] =	stream.indirect.scatter.add.f32 [tilespmem:s17], [sflag:$0x2], $0x80, s23, s14, $0xb8;
	[tilespmem:$0x1C800] =	vst v63  }
0x95: {  	_ =	swait.ge [sflag:s12], $0x4000  }
0x96: {  	[sflag:s12] =	ssyncset.done $0x0  }
0x97: {  	[sflag:s12] =	ssyncadd.s32 $0xFFFFC000  }
0x98: {  	_ =	swait.ge [sflag:s16], $0x4000  }
0x99: {  	[sflag:s16] =	ssyncset.done $0x0  }
0x9a: {  	[sflag:s16] =	ssyncadd.s32 $0xFFFFC000  }
0x9b: {  	[tilespmem:s17], [sflag:$0x1] =	stream.indirect.gather [hbm4b:s1+s14], $0x80, s24, s14, $0xb8;
	[tilespmem:$0x1C800] =	vst v63  }
0x9c: {  	_ = 	snop  }
0x9d: {  	[spmem:s3] =	stream.indirect.scatter.add.f32 [tilespmem:s15], [sflag:$0x2], $0x80, s25, s14, $0xb8;
	[tilespmem:$0x1C800] =	vst v63  }
0x9e: {  	_ =	swait.ge [sflag:s12], $0x4000  }
0x9f: {  	[sflag:s12] =	ssyncset.done $0x0  }
0xa0: {  	[sflag:s12] =	ssyncadd.s32 $0xFFFFC000  }
0xa1: {  	_ =	swait.ge [sflag:s16], $0x4000  }
0xa2: {  	[sflag:s16] =	ssyncset.done $0x0  }
0xa3: {  	[sflag:s16] =	ssyncadd.s32 $0xFFFFC000  }
0xa4: {  	[tilespmem:s15], [sflag:$0x1] =	stream.indirect.gather [hbm4b:s1+s14], $0x80, s26, s14, $0xb8;
	[tilespmem:$0x1C800] =	vst v63  }
0xa5: {  	_ = 	snop  }
0xa6: {  	[spmem:s3] =	stream.indirect.scatter.add.f32 [tilespmem:s17], [sflag:$0x2], $0x80, s28, s14, $0xb8;
	[tilespmem:$0x1C800] =	vst v63  }
0xa7: {  	_ =	swait.ge [sflag:s12], $0x4000  }
0xa8: {  	[sflag:s12] =	ssyncset.done $0x0  }
0xa9: {  	[sflag:s12] =	ssyncadd.s32 $0xFFFFC000  }
0xaa: {  	_ =	swait.ge [sflag:s16], $0x4000  }
0xab: {  	[sflag:s16] =	ssyncset.done $0x0  }
0xac: {  	[sflag:s16] =	ssyncadd.s32 $0xFFFFC000  }
0xad: {  	[tilespmem:s17], [sflag:$0x1] =	stream.indirect.gather [hbm4b:s1+s14], $0x80, s29, s14, $0xb8;
	[tilespmem:$0x1C800] =	vst v63  }
0xae: {  	_ = 	snop  }
0xaf: {  	[spmem:s3] =	stream.indirect.scatter.add.f32 [tilespmem:s15], [sflag:$0x2], $0x80, s30, s14, $0xb8;
	[tilespmem:$0x1C800] =	vst v63  }
0xb0: {  	_ =	swait.ge [sflag:s12], $0x4000  }
0xb1: {  	[sflag:s12] =	ssyncset.done $0x0  }
0xb2: {  	[sflag:s12] =	ssyncadd.s32 $0xFFFFC000  }
0xb3: {  	_ =	swait.ge [sflag:s16], $0x4000  }
.Ltmp0:
0xb4: {  	[sflag:s16] =	ssyncset.done $0x0;
	(pc) =	sbr.rel @p0 .LBB2_2-.Ltmp0, $4  }
0xb5: {  	[sflag:s16] =	ssyncadd.s32 $0xFFFFC000  }
0xb6: {  	[spmem:s3] =	stream.indirect.scatter.add.f32 [tilespmem:s17], [sflag:$0x2], $0x80, s31, s14, $0xb8;
	[tilespmem:$0x1C800] =	vst v63  }
0xb7: {  	_ =	swait.ge [sflag:s12], $0x4000  }
0xb8: {  	s5 =	smov.u32 s7;
	[sflag:s12] =	ssyncset.done $0x0  }
0xb9: {  	s5 =	sadd.s32 s0, s10;
	[sflag:s12] =	ssyncadd.s32 $0xFFFFC000  }
0xba: {  	[tilespmem:s4], [sflag:$0x2] =	stream.linear.gather [hbm4b:s5+s4], $0x400, $0x38;
	[tilespmem:$0x1C800] =	vst v63  }
0xbb: {  	_ =	swait.ge [sflag:s12], $0x400  }
0xbc: {  	[sflag:s12] =	ssyncset.done $0x0  }
0xbd: {  	s7 =	sadd.s32 s0, s9;
	[sflag:s12] =	ssyncadd.s32 $0xFFFFFC00  }
0xbe: {  	[tilespmem:s13], [sflag:$0x2] =	stream.linear.gather [hbm4b:s7+s4], $0x400, $0x38;
	[tilespmem:$0x1C800] =	vst v63  }
0xbf: {  	_ =	swait.ge [sflag:s12], $0x400  }
0xc0: {  	[sflag:s12] =	ssyncset.done $0x0  }
0xc1: {  	[sflag:s12] =	ssyncadd.s32 $0xFFFFFC00  }
0xc2: {  	[tilespmem:s15], [sflag:$0x1] =	stream.indirect.gather [hbm4b:s1+s14], $0x80, s4, s14, $0xb8;
	[tilespmem:$0x1C800] =	vst v63  }
0xc3: {  	_ =	swait.ge [sflag:s16], $0x4000  }
0xc4: {  	[sflag:s16] =	ssyncset.done $0x0  }
0xc5: {  	[sflag:s16] =	ssyncadd.s32 $0xFFFFC000  }
0xc6: {  	[tilespmem:s17], [sflag:$0x1] =	stream.indirect.gather [hbm4b:s1+s14], $0x80, s14, s14, $0xb8;
	[tilespmem:$0x1C800] =	vst v63  }
0xc7: {  	_ = 	snop  }
0xc8: {  	[spmem:s3] =	stream.indirect.scatter.add.f32 [tilespmem:s15], [sflag:$0x2], $0x80, s13, s14, $0xb8;
	[tilespmem:$0x1C800] =	vst v63  }
0xc9: {  	_ =	swait.ge [sflag:s12], $0x4000  }
0xca: {  	[sflag:s12] =	ssyncset.done $0x0  }
0xcb: {  	[sflag:s12] =	ssyncadd.s32 $0xFFFFC000  }
0xcc: {  	_ =	swait.ge [sflag:s16], $0x4000  }
0xcd: {  	[sflag:s16] =	ssyncset.done $0x0  }
0xce: {  	[sflag:s16] =	ssyncadd.s32 $0xFFFFC000  }
0xcf: {  	[tilespmem:s15], [sflag:$0x1] =	stream.indirect.gather [hbm4b:s1+s14], $0x80, s18, s14, $0xb8;
	[tilespmem:$0x1C800] =	vst v63  }
0xd0: {  	_ = 	snop  }
0xd1: {  	[spmem:s3] =	stream.indirect.scatter.add.f32 [tilespmem:s17], [sflag:$0x2], $0x80, s19, s14, $0xb8;
	[tilespmem:$0x1C800] =	vst v63  }
0xd2: {  	_ =	swait.ge [sflag:s12], $0x4000  }
0xd3: {  	[sflag:s12] =	ssyncset.done $0x0  }
0xd4: {  	[sflag:s12] =	ssyncadd.s32 $0xFFFFC000  }
0xd5: {  	_ =	swait.ge [sflag:s16], $0x4000  }
0xd6: {  	[sflag:s16] =	ssyncset.done $0x0  }
0xd7: {  	[sflag:s16] =	ssyncadd.s32 $0xFFFFC000  }
0xd8: {  	[tilespmem:s17], [sflag:$0x1] =	stream.indirect.gather [hbm4b:s1+s14], $0x80, s20, s14, $0xb8;
	[tilespmem:$0x1C800] =	vst v63  }
0xd9: {  	_ = 	snop  }
0xda: {  	[spmem:s3] =	stream.indirect.scatter.add.f32 [tilespmem:s15], [sflag:$0x2], $0x80, s21, s14, $0xb8;
	[tilespmem:$0x1C800] =	vst v63  }
0xdb: {  	_ =	swait.ge [sflag:s12], $0x4000  }
0xdc: {  	[sflag:s12] =	ssyncset.done $0x0  }
0xdd: {  	[sflag:s12] =	ssyncadd.s32 $0xFFFFC000  }
0xde: {  	_ =	swait.ge [sflag:s16], $0x4000  }
0xdf: {  	[sflag:s16] =	ssyncset.done $0x0  }
0xe0: {  	[sflag:s16] =	ssyncadd.s32 $0xFFFFC000  }
0xe1: {  	[tilespmem:s15], [sflag:$0x1] =	stream.indirect.gather [hbm4b:s1+s14], $0x80, s22, s14, $0xb8;
	[tilespmem:$0x1C800] =	vst v63  }
0xe2: {  	_ = 	snop  }
0xe3: {  	[spmem:s3] =	stream.indirect.scatter.add.f32 [tilespmem:s17], [sflag:$0x2], $0x80, s23, s14, $0xb8;
	[tilespmem:$0x1C800] =	vst v63  }
0xe4: {  	_ =	swait.ge [sflag:s12], $0x4000  }
0xe5: {  	[sflag:s12] =	ssyncset.done $0x0  }
0xe6: {  	[sflag:s12] =	ssyncadd.s32 $0xFFFFC000  }
0xe7: {  	_ =	swait.ge [sflag:s16], $0x4000  }
0xe8: {  	[sflag:s16] =	ssyncset.done $0x0  }
0xe9: {  	[sflag:s16] =	ssyncadd.s32 $0xFFFFC000  }
0xea: {  	[tilespmem:s17], [sflag:$0x1] =	stream.indirect.gather [hbm4b:s1+s14], $0x80, s24, s14, $0xb8;
	[tilespmem:$0x1C800] =	vst v63  }
0xeb: {  	_ = 	snop  }
0xec: {  	[spmem:s3] =	stream.indirect.scatter.add.f32 [tilespmem:s15], [sflag:$0x2], $0x80, s25, s14, $0xb8;
	[tilespmem:$0x1C800] =	vst v63  }
0xed: {  	_ =	swait.ge [sflag:s12], $0x4000  }
0xee: {  	[sflag:s12] =	ssyncset.done $0x0  }
0xef: {  	[sflag:s12] =	ssyncadd.s32 $0xFFFFC000  }
0xf0: {  	_ =	swait.ge [sflag:s16], $0x4000  }
0xf1: {  	[sflag:s16] =	ssyncset.done $0x0  }
0xf2: {  	[sflag:s16] =	ssyncadd.s32 $0xFFFFC000  }
0xf3: {  	[tilespmem:s15], [sflag:$0x1] =	stream.indirect.gather [hbm4b:s1+s14], $0x80, s26, s14, $0xb8;
	[tilespmem:$0x1C800] =	vst v63  }
0xf4: {  	_ = 	snop  }
0xf5: {  	[spmem:s3] =	stream.indirect.scatter.add.f32 [tilespmem:s17], [sflag:$0x2], $0x80, s28, s14, $0xb8;
	[tilespmem:$0x1C800] =	vst v63  }
0xf6: {  	_ =	swait.ge [sflag:s12], $0x4000  }
0xf7: {  	[sflag:s12] =	ssyncset.done $0x0  }
0xf8: {  	[sflag:s12] =	ssyncadd.s32 $0xFFFFC000  }
0xf9: {  	_ =	swait.ge [sflag:s16], $0x4000  }
0xfa: {  	[sflag:s16] =	ssyncset.done $0x0  }
0xfb: {  	[sflag:s16] =	ssyncadd.s32 $0xFFFFC000  }
0xfc: {  	[tilespmem:s17], [sflag:$0x1] =	stream.indirect.gather [hbm4b:s1+s14], $0x80, s29, s14, $0xb8;
	[tilespmem:$0x1C800] =	vst v63  }
0xfd: {  	_ = 	snop  }
0xfe: {  	[spmem:s3] =	stream.indirect.scatter.add.f32 [tilespmem:s15], [sflag:$0x2], $0x80, s30, s14, $0xb8;
	[tilespmem:$0x1C800] =	vst v63  }
0xff: {  	_ =	swait.ge [sflag:s12], $0x4000  }
0x100: {  	[sflag:s12] =	ssyncset.done $0x0  }
0x101: {  	[sflag:s12] =	ssyncadd.s32 $0xFFFFC000  }
0x102: {  	_ =	swait.ge [sflag:s16], $0x4000  }
0x103: {  	[sflag:s16] =	ssyncset.done $0x0  }
0x104: {  	[sflag:s16] =	ssyncadd.s32 $0xFFFFC000  }
0x105: {  	[spmem:s3] =	stream.indirect.scatter.add.f32 [tilespmem:s17], [sflag:$0x2], $0x80, s31, s14, $0xb8;
	[tilespmem:$0x1C800] =	vst v63  }
0x106: {  	_ =	swait.ge [sflag:s12], $0x4000  }
0x107: {  	[sflag:s12] =	ssyncset.done $0x0  }
0x108: {  	[sflag:s12] =	ssyncadd.s32 $0xFFFFC000  }
0x109: {  	[bflag:$0x0] =	sbarrier.arrive $0xFFFF  }
0x10a: {  	s8 =	rddreg [dreg:$0x5]  }
0x10b: {  	s5 =	rddreg [dreg:$0x7]  }
0x10c: {  	[hbm:s8], [sflag:s11] =	dma.local [spmem:s5], $0x2800  }
0x10d: {  	_ =	swait.ge [sflag:s12], $0x2800  }
0x10e: {  	s6 =	smov.u32 s11;
	s2 =	sadd.s32 $0x1, s2;
	s11 =	rddreg [dreg:$0x6]  }
0x10f: {  	p0 =	sne.s32 s2, s11  }
.Ltmp1:
0x110: {  	_ = 	snop;
	(pc) =	sbr.rel @p0 .LBB2_1-.Ltmp1, $3  }
0x111: {  	_ =	sdelay $0x1  }
0x112: {  	[sflag:s12] =	ssyncset.done $0x0  }
0x113: {  	[sflag:s12] =	ssyncadd.s32 $0xFFFFD800  }
0x114: {  	_ =	sfence.sel $0x180000  }
0x115: {  	[bflag:$0x0] =	sbarrier.arrive $0xFFFF  }
0x116: {  	_ =	strace $0x90000047  }
0x117: {  	s0 =	stileid.u32;
	[bflag:$0x2] =	sbarrier.arrive $0xFFFF  }
0x118: {  	p0 =	sne.s32 s0, $0x0;
	s0 =	rddreg [dreg:$0x3]  }
0x119: {  	s0 =	sadd.s32 @!p0 $0x100000, s0  }
0x11a: {  	[sflag:s0] =	ssyncadd.tile.s32 @!p0 $0x1;
	_ =	shalt  }
.Lfunc_end2:
_tile_overlayer_lowered:
.L_overlay_start_2:
0x11b: {  	(tag) =	ssettag $0x2  }
0x11c: {  	s0 =	rddreg [dreg:$0x0];
	s2 =	stileid.u32  }
0x11d: {  	s1 =	rddreg [dreg:$0x1];
	p0 =	sne.s32 s2, $0x0  }
0x11e: {  	s3 =	rddreg [dreg:$0x2];
	[bflag:$0x3] =	sbarrier.arrive $0xFFFF;
	s2 =	simm.s32 @!p0 $0x1C02  }
0x11f: {  	[timem:s3], [sflag:s2] =	dma.local @!p0 [hbm:s0], s1  }
0x120: {  	s0 =	simm.s32 @!p0 $0x2  }
0x121: {  	_ =	swait.ge @!p0 [sflag:s0], s1  }
0x122: {  	s1 =	ssub.s32 @!p0 $0x0, s1;
	[sflag:s0] =	ssyncset.done @!p0 $0x0  }
0x123: {  	[sflag:s0] =	ssyncadd.s32 @!p0 s1  }
0x124: {  	[bflag:$0x3] =	sbarrier.arrive $0xFFFF  }
0x125: {  	_ =	shalt  }

// kernel: kernel.13.cloned.1.call-start
scs
__scs_entry_jumppad:
0x0: {  	(pc) =	sbr.rel $0x88, $3  }
0x1: {  	(tag) =	ssettag $0x0;
	lr =	simm.s32 $0x1  }
0x2: {  	[smem:$0x3F8E] =	sst lr;
	_ =	strace $0xD0000000  }
0x3: {  	_ = 	snop  }
0x4: {  	_ = 	snop  }
0x5: {  	_ = 	snop  }
0x6: {  	_ = 	snop  }
0x7: {  	_ = 	snop  }
__scs_overlays_trampoline_lowered:
0x8: {  	[smem:$0x3F9D] =	sst s0  }
0x9: {  	[smem:$0x3F9E] =	sst s1  }
0xa: {  	[smem:$0x3F9F] =	sst s2  }
0xb: {  	[smem:$0x3FA0] =	sst s3  }
0xc: {  	[smem:$0x3FA1] =	sst s4  }
0xd: {  	[smem:$0x3FA2] =	sst s5  }
0xe: {  	[smem:$0x3FA3] =	sst s6  }
0xf: {  	[smem:$0x3FA4] =	sst s7  }
0x10: {  	[smem:$0x3FA5] =	sst s8  }
0x11: {  	[smem:$0x3FA6] =	sst s9;
	s0 =	simm.s32 @!p0 $0x0  }
0x12: {  	s1 =	sld [smem:$0x3F8C];
	s0 =	simm.s32 @p0 $0x1  }
0x13: {  	[smem:$0x3FA7] =	sst s0;
	s0 =	simm.s32 @!p1 $0x0  }
0x14: {  	s2 =	sld [smem:$0x3F8B];
	s0 =	simm.s32 @p1 $0x1  }
0x15: {  	[smem:$0x3FA8] =	sst s0;
	s0 =	simm.s32 @!p2 $0x0  }
0x16: {  	s3 =	sld [smem:$0x3FDB];
	s0 =	simm.s32 @p2 $0x1  }
0x17: {  	s4 =	simm.s32 $0x1BF5;
	[smem:$0x3FAA] =	sst s0  }
0x18: {  	s0 =	sld [smem:$0x3F8D];
	_ =	swait.ge [sflag:s4], $0x0  }
0x19: {  	s7 =	sld [smem:$0x3F8E]  }
0x1a: {  	s8 =	sadd.s32 $0xFFFFE003, lr  }
0x1b: {  	s9 =	sadd.s32 $0xFFFFFEF7, lr;
	s5 =	simm.s32 $0xFFFFFFFF;
	p2 =	slt.u32 s8, $0xFFFFF086  }
0x1c: {  	p1 =	slt.u32 s9, $0xF7A;
	s5 =	simm.s32 @!p2 $0x0  }
0x1d: {  	s5 =	simm.s32 @p1 $0x1;
	p0 =	seq.s32 s7, s2  }
0x1e: {  	s7 =	smul.u32 @!p0 $0xF7A, s2;
	p2 =	seq.s32 @!p0 s5, $0x0  }
0x1f: {  	s9 =	smul.u32 $0xF7A, s1;
	s8 =	simm.s32 @!p0 $0x1BF5;
	p2 =	por !p2, p0  }
0x20: {  	[sflag:s8] =	ssyncset.s32 @!p0 $0xFFFFF086;
	s6 =	sadd.s32 @!p0 s3, s7;
	s7 =	simm.s32 @!p0 $0x108  }
0x21: {  	s3 =	sadd.s32 s3, s9;
	s6 =	sadd.s32 @!p0 $0x88, s6;
	s7 =	simm.s32 @p2 $0x1082  }
0x22: {  	[simem:s7], [sflag:s8] =	dma.local @!p0 [hbm:s6], $0xF7A  }
0x23: {  	s9 =	sor.u32 $0xD0000000, s2;
	s6 =	simm.s32 $0x108;
	_ =	swait.ge @!p0 [sflag:s8], $0x0  }
0x24: {  	s3 =	sadd.s32 $0x88, s3;
	s6 =	simm.s32 @!p1 $0x1082;
	[sflag:s4] =	ssyncset.s32 $0xFFFFF086  }
0x25: {  	[simem:s6], [sflag:s4] =	dma.local [hbm:s3], $0xF7A  }
0x26: {  	[smem:$0x3F8E] =	sst s1;
	(tag) =	ssettag s2;
	_ =	strace s9  }
0x27: {  	s1 =	sld [smem:$0x3F9E]  }
0x28: {  	s2 =	sld [smem:$0x3F9F]  }
0x29: {  	s4 =	sld [smem:$0x3FA1]  }
0x2a: {  	p0 =	seq.s32 s5, $0x0;
	s5 =	sld [smem:$0x3FA2]  }
0x2b: {  	s6 =	sld [smem:$0x3FA3]  }
0x2c: {  	s7 =	sld [smem:$0x3FA4]  }
0x2d: {  	s3 =	simm.s32 $0x108;
	s8 =	sld [smem:$0x3FA5]  }
0x2e: {  	s3 =	simm.s32 @!p0 $0x1082;
	s9 =	sld [smem:$0x3FA6]  }
0x2f: {  	lr =	sadd.s32 s0, s3;
	s0 =	sld [smem:$0x3F9D]  }
0x30: {  	s3 =	sld [smem:$0x3FA0]  }
0x31: {  	[smem:$0x3FA9] =	sst s10  }
0x32: {  	s10 =	sld [smem:$0x3FA7];
	_ =	sdelay $0x3  }
0x33: {  	p0 =	seq.s32 s10, $0x1;
	s10 =	sld [smem:$0x3FA9];
	_ =	sdelay $0x3  }
0x34: {  	[smem:$0x3FA9] =	sst s10  }
0x35: {  	s10 =	sld [smem:$0x3FA8];
	_ =	sdelay $0x3  }
0x36: {  	p1 =	seq.s32 s10, $0x1;
	s10 =	sld [smem:$0x3FA9];
	_ =	sdelay $0x3  }
0x37: {  	[smem:$0x3FA9] =	sst s10  }
0x38: {  	s10 =	sld [smem:$0x3FAA]  }
0x39: {  	_ = 	snop;
	(pc) =	sbr.ind lr, $3  }
0x3a: {  	_ = 	snop  }
0x3b: {  	_ = 	snop  }
0x3c: {  	p2 =	seq.s32 s10, $0x1;
	s10 =	sld [smem:$0x3FA9]  }
0x3d: {  	_ =	shalt  }
0x3e: {  	_ =	shalt  }
0x3f: {  	_ =	shalt  }
0x40: {  	_ =	shalt  }
0x41: {  	_ =	shalt  }
0x42: {  	_ =	shalt  }
0x43: {  	_ =	shalt  }
0x44: {  	_ =	shalt  }
0x45: {  	_ =	shalt  }
0x46: {  	_ =	shalt  }
0x47: {  	_ =	shalt  }
0x48: {  	_ =	shalt  }
0x49: {  	_ =	shalt  }
0x4a: {  	_ =	shalt  }
0x4b: {  	_ =	shalt  }
0x4c: {  	_ =	shalt  }
0x4d: {  	_ =	shalt  }
0x4e: {  	_ =	shalt  }
0x4f: {  	_ =	shalt  }
0x50: {  	_ =	shalt  }
0x51: {  	_ =	shalt  }
0x52: {  	_ =	shalt  }
0x53: {  	_ =	shalt  }
0x54: {  	_ =	shalt  }
0x55: {  	_ =	shalt  }
0x56: {  	_ =	shalt  }
0x57: {  	_ =	shalt  }
0x58: {  	_ =	shalt  }
0x59: {  	_ =	shalt  }
0x5a: {  	_ =	shalt  }
0x5b: {  	_ =	shalt  }
0x5c: {  	_ =	shalt  }
0x5d: {  	_ =	shalt  }
0x5e: {  	_ =	shalt  }
0x5f: {  	_ =	shalt  }
0x60: {  	_ =	shalt  }
0x61: {  	_ =	shalt  }
0x62: {  	_ =	shalt  }
0x63: {  	_ =	shalt  }
0x64: {  	_ =	shalt  }
0x65: {  	_ =	shalt  }
0x66: {  	_ =	shalt  }
0x67: {  	_ =	shalt  }
0x68: {  	_ =	shalt  }
0x69: {  	_ =	shalt  }
0x6a: {  	_ =	shalt  }
0x6b: {  	_ =	shalt  }
0x6c: {  	_ =	shalt  }
0x6d: {  	_ =	shalt  }
0x6e: {  	_ =	shalt  }
0x6f: {  	_ =	shalt  }
0x70: {  	_ =	shalt  }
0x71: {  	_ =	shalt  }
0x72: {  	_ =	shalt  }
0x73: {  	_ =	shalt  }
0x74: {  	_ =	shalt  }
0x75: {  	_ =	shalt  }
0x76: {  	_ =	shalt  }
0x77: {  	_ =	shalt  }
0x78: {  	_ =	shalt  }
0x79: {  	_ =	shalt  }
0x7a: {  	_ =	shalt  }
0x7b: {  	_ =	shalt  }
0x7c: {  	_ =	shalt  }
0x7d: {  	_ =	shalt  }
0x7e: {  	_ =	shalt  }
0x7f: {  	_ =	shalt  }
0x80: {  	_ =	shalt  }
0x81: {  	_ =	shalt  }
0x82: {  	_ =	shalt  }
0x83: {  	_ =	shalt  }
0x84: {  	_ =	shalt  }
0x85: {  	_ =	shalt  }
0x86: {  	_ =	shalt  }
0x87: {  	_ =	shalt  }
.Lfunc_end0:
.L_simem_size_0:
called_computation.1_lowered:
.L_overlay_start_0:
0x88: {  	s2 =	sld [smem:$0x3FD9]  }
0x89: {  	s3 =	sld [smem:$0x3FFE];
	_ =	sdelay $0x1  }
0x8a: {  	s1 =	srdreg.scid  }
0x8b: {  	s0 =	sand.u32 $0x1, s1  }
0x8c: {  	s16 =	sshll.u32 s0, $0xA;
	s2 =	sadd.s32 s3, s2  }
0x8d: {  	s2 =	sadd.s32 s2, s16  }
0x8e: {  	[smem:$0x3FB5] =	sst s2  }
0x8f: {  	_ = 	snop  }
0x90: {  	(tm) =	ssettm $0x1  }
0x91: {  	s17 =	sld [smem:$0x3FFB];
	_ =	sdelay $0x3  }
0x92: {  	_ =	strace s17  }
0x93: {  	s2 =	sld [smem:$0x3FFC];
	_ =	sdelay $0x3  }
0x94: {  	_ =	strace s2  }
0x95: {  	s2 =	sld [smem:$0x3FFD];
	_ =	sdelay $0x3  }
0x96: {  	_ =	strace s2  }
0x97: {  	_ =	strace $0x8FFFFFFF  }
0x98: {  	s18 =	sld [smem:$0x3FDB];
	_ =	sdelay $0x1  }
0x99: {  	s19 =	simm.s32 $_scs_section_size  }
0x9a: {  	s4 =	simm.s32 $_size__tile_overlayer_lowered;
	s5 =	simm.s32 $_tile_overlayer_lowered  }
0x9b: {  	s22 =	simm.s32 $0x1BFF;
	s21 =	sshll.u32 s5, $0x1;
	s2 =	sadd.s32 s19, s18  }
0x9c: {  	s6 =	simm.s32 $0x0;
	s20 =	sshll.u32 s4, $0x1;
	s4 =	sadd.s32 s21, s2  }
0x9d: {  	[timem:s6], [sflag:s22] =	dma.local [hbm:s4], s20  }
0x9e: {  	_ =	swait.ge [sflag:s22], s20  }
0x9f: {  	s3 =	ssub.s32 $0x0, s20;
	[sflag:s22] =	ssyncset.done $0x0  }
0xa0: {  	[sflag:s22] =	ssyncadd.s32 s3;
	_ =	sdelay $0x1  }
0xa1: {  	s23 =	simm.s32 $0x1B8B  }
0xa2: {  	_ =	swait.ge [sflag:s23], $0x1  }
0xa3: {  	[sflag:s23] =	ssyncset.done $0x0  }
0xa4: {  	s25 =	simm.s32 $0x1B8E;
	s24 =	sld [smem:$0x3FFE];
	[sflag:s23] =	ssyncadd.s32 $0xFFFFFFFF  }
0xa5: {  	s26 =	simm.s32 $execute0_lowered;
	[smem:$0x3FD2] =	sst s25  }
0xa6: {  	s4 =	sshll.u32 s26, $0x1;
	_ =	strace $0x80000049;
	[dreg:$0x1] =	wrdreg $0xFFFFFFFF  }
0xa7: {  	s28 =	simm.s32 $_size_execute0_lowered;
	s2 =	sadd.s32 s2, s4;
	[dreg:$0x0] =	wrdreg $0x0  }
0xa8: {  	s4 =	sshll.u32 s28, $0x1;
	[dreg:$0x2] =	wrdreg s2  }
0xa9: {  	[dreg:$0x3] =	wrdreg s4  }
0xaa: {  	[dreg:$0x4] =	wrdreg $0xC0  }
0xab: {  	_ =	task [dreg:s6], $0x5FFFF  }
0xac: {  	[dreg:$0x1] =	wrdreg $0xFFFFFFFF  }
0xad: {  	[dreg:$0x0] =	wrdreg $0x60  }
0xae: {  	[dreg:$0x2] =	wrdreg s24  }
0xaf: {  	[dreg:$0x3] =	wrdreg $0x88000  }
0xb0: {  	[dreg:$0x4] =	wrdreg $0x9  }
0xb1: {  	_ =	task.clear_ibuf [dreg:s6], $0x5FFFF;
	_ =	strace $0x90000049  }
0xb2: {  	s29 =	simm.s32 $0x9;
	_ =	strace $0x8000004B  }
0xb3: {  	_ =	swait.ge [sflag:s29], $0x1  }
0xb4: {  	[sflag:s29] =	ssyncadd.s32 $0xFFFFFFFF  }
0xb5: {  	_ =	strace $0x9000004B  }
0xb6: {  	_ =	sfence  }
0xb7: {  	s30 =	sld [smem:$0x0];
	_ =	sdelay $0x2  }
0xb8: {  	s31 =	sshll.u32 s1, $0xD;
	s1 =	sshrl.u32 s1, $0x2  }
0xb9: {  	s3 =	sand.u32 $0x4000, s31;
	s1 =	sadd.s32 s1, s30  }
0xba: {  	s0 =	sor.u32 s3, s0;
	s1 =	sshll.u32 s1, $0x11  }
0xbb: {  	s0 =	sor.u32 s1, s0  }
0xbc: {  	s0 =	sadd.s32 $0x8F2B, s0  }
0xbd: {  	[sflag:s0] =	ssyncadd.remote.s32 $0x1  }
0xbe: {  	_ =	sfence.sel $0xFFFF  }
0xbf: {  	[dreg:$0x0] =	wrdreg $0xFFFFFFFF;
	(pc) =	sbr.abs _section_cstart, $3  }
0xc0: {  	[dreg:$0x1] =	wrdreg $0xFFFFFFFF  }
0xc1: {  	_ =	task.clear_ibuf [dreg:s6], $0x2FFFF;
	_ =	strace $0x9FFFFFFF  }
0xc2: {  	(tm) =	ssettm $0x7FFFFFFF  }
0xc3: {  	_ =	shalt  }
tec
execute0_lowered:
.L_overlay_start_1:
0x0: {  	(tag) =	ssettag $0x1  }
0x1: {  	s0 =	srdreg.scid  }
0x2: {  	s8 =	stileid.u32;
	s1 =	rddreg [dreg:$0x0]  }
0x3: {  	s2 =	rddreg [dreg:$0x1];
	s3 =	simm.s32 $0x0;
	s12 =	simm.s32 $0x2  }
0x4: {  	s13 =	simm.s32 $0x400;
	s14 =	simm.s32 $0x80;
	s15 =	simm.s32 $0x800  }
0x5: {  	s16 =	simm.s32 $0x1;
	s17 =	simm.s32 $0x4800;
	s18 =	simm.s32 $0x100  }
0x6: {  	s19 =	simm.s32 $0x480;
	s20 =	simm.s32 $0x180;
	s21 =	simm.s32 $0x500  }
0x7: {  	s28 =	simm.s32 $0x680;
	s29 =	simm.s32 $0x380;
	s4 =	smul.u32 $0x5800, s8  }
0x8: {  	s30 =	simm.s32 $0x700;
	s31 =	simm.s32 $0x780;
	s22 =	smul.u32 $0x14000, s8  }
0x9: {  	s0 =	sand.u32 $0x1, s0;
	[smem:$0x7FF] =	sst s3;
	s23 =	smul.u32 $0x50000, s8  }
0xa: {  	s9 =	sadd.s32 $0x2C00, s1;
	s26 =	sshll.u32 s8, $0x6;
	s5 =	smul.u32 $0x2C00, s0  }
0xb: {  	s6 =	smul.u32 $0x140000, s0;
	_ =	strace $0x8000004A;
	s0 =	ssub.s32 $0x2, s0  }
0xc: {  	[dreg:$0x3] =	wrdreg s9;
	s24 =	sshrl.u32 s0, $0x1;
	s25 =	sshrl.u32 s23, $0x2  }
0xd: {  	s23 =	simm.s32 $0x580;
	s4 =	sadd.s32 s5, s4;
	s5 =	sadd.s32 s22, s6  }
0xe: {  	s0 =	ssub.s32 s0, s24;
	s6 =	sor.u32 $0x1C02, s26;
	s22 =	simm.s32 $0x200  }
0xf: {  	s24 =	simm.s32 $0x280;
	s26 =	simm.s32 $0x300;
	s7 =	sshrl.u32 s4, $0x3  }
0x10: {  	s4 =	sadd.s32 $0x22A00, s1;
	s5 =	sshrl.u32 s5, $0x3;
	s0 =	smax.u32 s0, $0x1  }
0x11: {  	s7 =	sadd.s32 s7, s1;
	s1 =	sadd.s32 s5, s1;
	s5 =	sadd.s32 s25, s2  }
0x12: {  	[dreg:$0x5] =	wrdreg s0;
	s25 =	simm.s32 $0x600;
	s1 =	sadd.s32 $0x49C00, s1  }
0x13: {  	s9 =	sadd.s32 $0x17A00, s7;
	s5 =	sshrl.u32 s5, $0x3;
	[dreg:$0x4] =	wrdreg s1  }
0x14: {  	s10 =	sadd.s32 $0xCA00, s7;
	s1 =	simm.s32 $0x0;
	[dreg:$0x6] =	wrdreg s5  }
.LBB2_1:
0x15: {  	s0 =	rddreg [dreg:$0x3]  }
0x16: {  	[spmem:s5], [sflag:s6] =	dma.local [hbm:s0], $0x2800  }
0x17: {  	_ =	swait.ge [sflag:s12], $0x2800  }
0x18: {  	[sflag:s12] =	ssyncset.done $0x0  }
0x19: {  	[sflag:s12] =	ssyncadd.s32 $0xFFFFD800  }
0x1a: {  	s7 =	sadd.s32 $0x0, s10;
	[bflag:$0x0] =	sbarrier.arrive $0xFFFF  }
0x1b: {  	[tilespmem:s3], [sflag:$0x2] =	stream.linear.gather [hbm4b:s7+s3], $0x400, $0x38;
	[tilespmem:$0x1C800] =	vst v63  }
0x1c: {  	_ =	swait.ge [sflag:s12], $0x400  }
0x1d: {  	[sflag:s12] =	ssyncset.done $0x0  }
0x1e: {  	s8 =	sadd.s32 $0x0, s9;
	[sflag:s12] =	ssyncadd.s32 $0xFFFFFC00  }
0x1f: {  	[tilespmem:s13], [sflag:$0x2] =	stream.linear.gather [hbm4b:s8+s3], $0x400, $0x38;
	[tilespmem:$0x1C800] =	vst v63  }
0x20: {  	_ =	swait.ge [sflag:s12], $0x400  }
0x21: {  	[sflag:s12] =	ssyncset.done $0x0  }
0x22: {  	[sflag:s12] =	ssyncadd.s32 $0xFFFFFC00  }
0x23: {  	[tilespmem:s15], [sflag:$0x1] =	stream.indirect.gather [hbm4b:s4+s14], $0x80, s3, s14, $0xb8;
	[tilespmem:$0x1C800] =	vst v63  }
0x24: {  	_ =	swait.ge [sflag:s16], $0x4000  }
0x25: {  	[sflag:s16] =	ssyncset.done $0x0  }
0x26: {  	[sflag:s16] =	ssyncadd.s32 $0xFFFFC000  }
0x27: {  	[tilespmem:s17], [sflag:$0x1] =	stream.indirect.gather [hbm4b:s4+s14], $0x80, s14, s14, $0xb8;
	[tilespmem:$0x1C800] =	vst v63  }
0x28: {  	_ = 	snop  }
0x29: {  	[spmem:s2] =	stream.indirect.scatter.add.f32 [tilespmem:s15], [sflag:$0x2], $0x80, s13, s14, $0xb8;
	[tilespmem:$0x1C800] =	vst v63  }
0x2a: {  	_ =	swait.ge [sflag:s12], $0x4000  }
0x2b: {  	[sflag:s12] =	ssyncset.done $0x0  }
0x2c: {  	[sflag:s12] =	ssyncadd.s32 $0xFFFFC000  }
0x2d: {  	_ =	swait.ge [sflag:s16], $0x4000  }
0x2e: {  	[sflag:s16] =	ssyncset.done $0x0  }
0x2f: {  	[sflag:s16] =	ssyncadd.s32 $0xFFFFC000  }
0x30: {  	[tilespmem:s15], [sflag:$0x1] =	stream.indirect.gather [hbm4b:s4+s14], $0x80, s18, s14, $0xb8;
	[tilespmem:$0x1C800] =	vst v63  }
0x31: {  	_ = 	snop  }
0x32: {  	[spmem:s2] =	stream.indirect.scatter.add.f32 [tilespmem:s17], [sflag:$0x2], $0x80, s19, s14, $0xb8;
	[tilespmem:$0x1C800] =	vst v63  }
0x33: {  	_ =	swait.ge [sflag:s12], $0x4000  }
0x34: {  	[sflag:s12] =	ssyncset.done $0x0  }
0x35: {  	[sflag:s12] =	ssyncadd.s32 $0xFFFFC000  }
0x36: {  	_ =	swait.ge [sflag:s16], $0x4000  }
0x37: {  	[sflag:s16] =	ssyncset.done $0x0  }
0x38: {  	[sflag:s16] =	ssyncadd.s32 $0xFFFFC000  }
0x39: {  	[tilespmem:s17], [sflag:$0x1] =	stream.indirect.gather [hbm4b:s4+s14], $0x80, s20, s14, $0xb8;
	[tilespmem:$0x1C800] =	vst v63  }
0x3a: {  	_ = 	snop  }
0x3b: {  	[spmem:s2] =	stream.indirect.scatter.add.f32 [tilespmem:s15], [sflag:$0x2], $0x80, s21, s14, $0xb8;
	[tilespmem:$0x1C800] =	vst v63  }
0x3c: {  	_ =	swait.ge [sflag:s12], $0x4000  }
0x3d: {  	[sflag:s12] =	ssyncset.done $0x0  }
0x3e: {  	[sflag:s12] =	ssyncadd.s32 $0xFFFFC000  }
0x3f: {  	_ =	swait.ge [sflag:s16], $0x4000  }
0x40: {  	[sflag:s16] =	ssyncset.done $0x0  }
0x41: {  	[sflag:s16] =	ssyncadd.s32 $0xFFFFC000  }
0x42: {  	[tilespmem:s15], [sflag:$0x1] =	stream.indirect.gather [hbm4b:s4+s14], $0x80, s22, s14, $0xb8;
	[tilespmem:$0x1C800] =	vst v63  }
0x43: {  	_ = 	snop  }
0x44: {  	[spmem:s2] =	stream.indirect.scatter.add.f32 [tilespmem:s17], [sflag:$0x2], $0x80, s23, s14, $0xb8;
	[tilespmem:$0x1C800] =	vst v63  }
0x45: {  	_ =	swait.ge [sflag:s12], $0x4000  }
0x46: {  	[sflag:s12] =	ssyncset.done $0x0  }
0x47: {  	[sflag:s12] =	ssyncadd.s32 $0xFFFFC000  }
0x48: {  	_ =	swait.ge [sflag:s16], $0x4000  }
0x49: {  	[sflag:s16] =	ssyncset.done $0x0  }
0x4a: {  	[sflag:s16] =	ssyncadd.s32 $0xFFFFC000  }
0x4b: {  	[tilespmem:s17], [sflag:$0x1] =	stream.indirect.gather [hbm4b:s4+s14], $0x80, s24, s14, $0xb8;
	[tilespmem:$0x1C800] =	vst v63  }
0x4c: {  	_ = 	snop  }
0x4d: {  	[spmem:s2] =	stream.indirect.scatter.add.f32 [tilespmem:s15], [sflag:$0x2], $0x80, s25, s14, $0xb8;
	[tilespmem:$0x1C800] =	vst v63  }
0x4e: {  	_ =	swait.ge [sflag:s12], $0x4000  }
0x4f: {  	[sflag:s12] =	ssyncset.done $0x0  }
0x50: {  	[sflag:s12] =	ssyncadd.s32 $0xFFFFC000  }
0x51: {  	_ =	swait.ge [sflag:s16], $0x4000  }
0x52: {  	[sflag:s16] =	ssyncset.done $0x0  }
0x53: {  	[sflag:s16] =	ssyncadd.s32 $0xFFFFC000  }
0x54: {  	[tilespmem:s15], [sflag:$0x1] =	stream.indirect.gather [hbm4b:s4+s14], $0x80, s26, s14, $0xb8;
	[tilespmem:$0x1C800] =	vst v63  }
0x55: {  	_ = 	snop  }
0x56: {  	[spmem:s2] =	stream.indirect.scatter.add.f32 [tilespmem:s17], [sflag:$0x2], $0x80, s28, s14, $0xb8;
	[tilespmem:$0x1C800] =	vst v63  }
0x57: {  	_ =	swait.ge [sflag:s12], $0x4000  }
0x58: {  	[sflag:s12] =	ssyncset.done $0x0  }
0x59: {  	[sflag:s12] =	ssyncadd.s32 $0xFFFFC000  }
0x5a: {  	_ =	swait.ge [sflag:s16], $0x4000  }
0x5b: {  	[sflag:s16] =	ssyncset.done $0x0  }
0x5c: {  	[sflag:s16] =	ssyncadd.s32 $0xFFFFC000  }
0x5d: {  	[tilespmem:s17], [sflag:$0x1] =	stream.indirect.gather [hbm4b:s4+s14], $0x80, s29, s14, $0xb8;
	[tilespmem:$0x1C800] =	vst v63  }
0x5e: {  	_ = 	snop  }
0x5f: {  	[spmem:s2] =	stream.indirect.scatter.add.f32 [tilespmem:s15], [sflag:$0x2], $0x80, s30, s14, $0xb8;
	[tilespmem:$0x1C800] =	vst v63  }
0x60: {  	_ =	swait.ge [sflag:s12], $0x4000  }
0x61: {  	[sflag:s12] =	ssyncset.done $0x0  }
0x62: {  	[sflag:s12] =	ssyncadd.s32 $0xFFFFC000  }
0x63: {  	_ =	swait.ge [sflag:s16], $0x4000  }
0x64: {  	[sflag:s16] =	ssyncset.done $0x0  }
0x65: {  	[sflag:s16] =	ssyncadd.s32 $0xFFFFC000  }
0x66: {  	[spmem:s2] =	stream.indirect.scatter.add.f32 [tilespmem:s17], [sflag:$0x2], $0x80, s31, s14, $0xb8;
	[tilespmem:$0x1C800] =	vst v63  }
0x67: {  	s11 =	smov.u32 s6;
	_ =	swait.ge [sflag:s12], $0x4000  }
0x68: {  	s0 =	simm.s32 $0x80;
	s5 =	simm.s32 $0x100;
	[sflag:s12] =	ssyncset.done $0x0  }
.LBB2_2:
0x69: {  	s8 =	sadd.s32 s0, s10  }
0x6a: {  	[sflag:s12] =	ssyncadd.s32 $0xFFFFC000;
	s6 =	smov.u32 s5;
	s7 =	sadd.s32 $0x80, s5  }
0x6b: {  	[tilespmem:s3], [sflag:$0x2] =	stream.linear.gather [hbm4b:s8+s3], $0x400, $0x38;
	[tilespmem:$0x1C800] =	vst v63  }
0x6c: {  	p0 =	sne.s32 s5, $0x500;
	_ =	swait.ge [sflag:s12], $0x400  }
0x6d: {  	[sflag:s12] =	ssyncset.done $0x0  }
0x6e: {  	s5 =	sadd.s32 s0, s9;
	s0 =	smov.u32 s6;
	[sflag:s12] =	ssyncadd.s32 $0xFFFFFC00  }
0x6f: {  	[tilespmem:s13], [sflag:$0x2] =	stream.linear.gather [hbm4b:s5+s3], $0x400, $0x38;
	[tilespmem:$0x1C800] =	vst v63  }
0x70: {  	_ =	swait.ge [sflag:s12], $0x400  }
0x71: {  	[sflag:s12] =	ssyncset.done $0x0  }
0x72: {  	[sflag:s12] =	ssyncadd.s32 $0xFFFFFC00  }
0x73: {  	[tilespmem:s15], [sflag:$0x1] =	stream.indirect.gather [hbm4b:s4+s14], $0x80, s3, s14, $0xb8;
	[tilespmem:$0x1C800] =	vst v63  }
0x74: {  	_ =	swait.ge [sflag:s16], $0x4000  }
0x75: {  	[sflag:s16] =	ssyncset.done $0x0  }
0x76: {  	[sflag:s16] =	ssyncadd.s32 $0xFFFFC000  }
0x77: {  	[tilespmem:s17], [sflag:$0x1] =	stream.indirect.gather [hbm4b:s4+s14], $0x80, s14, s14, $0xb8;
	[tilespmem:$0x1C800] =	vst v63  }
0x78: {  	_ = 	snop  }
0x79: {  	[spmem:s2] =	stream.indirect.scatter.add.f32 [tilespmem:s15], [sflag:$0x2], $0x80, s13, s14, $0xb8;
	[tilespmem:$0x1C800] =	vst v63  }
0x7a: {  	_ =	swait.ge [sflag:s12], $0x4000  }
0x7b: {  	[sflag:s12] =	ssyncset.done $0x0  }
0x7c: {  	[sflag:s12] =	ssyncadd.s32 $0xFFFFC000  }
0x7d: {  	_ =	swait.ge [sflag:s16], $0x4000  }
0x7e: {  	[sflag:s16] =	ssyncset.done $0x0  }
0x7f: {  	[sflag:s16] =	ssyncadd.s32 $0xFFFFC000  }
0x80: {  	[tilespmem:s15], [sflag:$0x1] =	stream.indirect.gather [hbm4b:s4+s14], $0x80, s18, s14, $0xb8;
	[tilespmem:$0x1C800] =	vst v63  }
0x81: {  	_ = 	snop  }
0x82: {  	[spmem:s2] =	stream.indirect.scatter.add.f32 [tilespmem:s17], [sflag:$0x2], $0x80, s19, s14, $0xb8;
	[tilespmem:$0x1C800] =	vst v63  }
0x83: {  	_ =	swait.ge [sflag:s12], $0x4000  }
0x84: {  	[sflag:s12] =	ssyncset.done $0x0  }
0x85: {  	[sflag:s12] =	ssyncadd.s32 $0xFFFFC000  }
0x86: {  	_ =	swait.ge [sflag:s16], $0x4000  }
0x87: {  	[sflag:s16] =	ssyncset.done $0x0  }
0x88: {  	[sflag:s16] =	ssyncadd.s32 $0xFFFFC000  }
0x89: {  	[tilespmem:s17], [sflag:$0x1] =	stream.indirect.gather [hbm4b:s4+s14], $0x80, s20, s14, $0xb8;
	[tilespmem:$0x1C800] =	vst v63  }
0x8a: {  	_ = 	snop  }
0x8b: {  	[spmem:s2] =	stream.indirect.scatter.add.f32 [tilespmem:s15], [sflag:$0x2], $0x80, s21, s14, $0xb8;
	[tilespmem:$0x1C800] =	vst v63  }
0x8c: {  	_ =	swait.ge [sflag:s12], $0x4000  }
0x8d: {  	[sflag:s12] =	ssyncset.done $0x0  }
0x8e: {  	[sflag:s12] =	ssyncadd.s32 $0xFFFFC000  }
0x8f: {  	_ =	swait.ge [sflag:s16], $0x4000  }
0x90: {  	[sflag:s16] =	ssyncset.done $0x0  }
0x91: {  	[sflag:s16] =	ssyncadd.s32 $0xFFFFC000  }
0x92: {  	[tilespmem:s15], [sflag:$0x1] =	stream.indirect.gather [hbm4b:s4+s14], $0x80, s22, s14, $0xb8;
	[tilespmem:$0x1C800] =	vst v63  }
0x93: {  	_ = 	snop  }
0x94: {  	[spmem:s2] =	stream.indirect.scatter.add.f32 [tilespmem:s17], [sflag:$0x2], $0x80, s23, s14, $0xb8;
	[tilespmem:$0x1C800] =	vst v63  }
0x95: {  	_ =	swait.ge [sflag:s12], $0x4000  }
0x96: {  	[sflag:s12] =	ssyncset.done $0x0  }
0x97: {  	[sflag:s12] =	ssyncadd.s32 $0xFFFFC000  }
0x98: {  	_ =	swait.ge [sflag:s16], $0x4000  }
0x99: {  	[sflag:s16] =	ssyncset.done $0x0  }
0x9a: {  	[sflag:s16] =	ssyncadd.s32 $0xFFFFC000  }
0x9b: {  	[tilespmem:s17], [sflag:$0x1] =	stream.indirect.gather [hbm4b:s4+s14], $0x80, s24, s14, $0xb8;
	[tilespmem:$0x1C800] =	vst v63  }
0x9c: {  	_ = 	snop  }
0x9d: {  	[spmem:s2] =	stream.indirect.scatter.add.f32 [tilespmem:s15], [sflag:$0x2], $0x80, s25, s14, $0xb8;
	[tilespmem:$0x1C800] =	vst v63  }
0x9e: {  	_ =	swait.ge [sflag:s12], $0x4000  }
0x9f: {  	[sflag:s12] =	ssyncset.done $0x0  }
0xa0: {  	[sflag:s12] =	ssyncadd.s32 $0xFFFFC000  }
0xa1: {  	_ =	swait.ge [sflag:s16], $0x4000  }
0xa2: {  	[sflag:s16] =	ssyncset.done $0x0  }
0xa3: {  	[sflag:s16] =	ssyncadd.s32 $0xFFFFC000  }
0xa4: {  	[tilespmem:s15], [sflag:$0x1] =	stream.indirect.gather [hbm4b:s4+s14], $0x80, s26, s14, $0xb8;
	[tilespmem:$0x1C800] =	vst v63  }
0xa5: {  	_ = 	snop  }
0xa6: {  	[spmem:s2] =	stream.indirect.scatter.add.f32 [tilespmem:s17], [sflag:$0x2], $0x80, s28, s14, $0xb8;
	[tilespmem:$0x1C800] =	vst v63  }
0xa7: {  	_ =	swait.ge [sflag:s12], $0x4000  }
0xa8: {  	[sflag:s12] =	ssyncset.done $0x0  }
0xa9: {  	[sflag:s12] =	ssyncadd.s32 $0xFFFFC000  }
0xaa: {  	_ =	swait.ge [sflag:s16], $0x4000  }
0xab: {  	[sflag:s16] =	ssyncset.done $0x0  }
0xac: {  	[sflag:s16] =	ssyncadd.s32 $0xFFFFC000  }
0xad: {  	[tilespmem:s17], [sflag:$0x1] =	stream.indirect.gather [hbm4b:s4+s14], $0x80, s29, s14, $0xb8;
	[tilespmem:$0x1C800] =	vst v63  }
0xae: {  	_ = 	snop  }
0xaf: {  	[spmem:s2] =	stream.indirect.scatter.add.f32 [tilespmem:s15], [sflag:$0x2], $0x80, s30, s14, $0xb8;
	[tilespmem:$0x1C800] =	vst v63  }
0xb0: {  	_ =	swait.ge [sflag:s12], $0x4000  }
0xb1: {  	[sflag:s12] =	ssyncset.done $0x0  }
0xb2: {  	[sflag:s12] =	ssyncadd.s32 $0xFFFFC000  }
0xb3: {  	_ =	swait.ge [sflag:s16], $0x4000  }
.Ltmp0:
0xb4: {  	[sflag:s16] =	ssyncset.done $0x0;
	(pc) =	sbr.rel @p0 .LBB2_2-.Ltmp0, $4  }
0xb5: {  	[sflag:s16] =	ssyncadd.s32 $0xFFFFC000  }
0xb6: {  	[spmem:s2] =	stream.indirect.scatter.add.f32 [tilespmem:s17], [sflag:$0x2], $0x80, s31, s14, $0xb8;
	[tilespmem:$0x1C800] =	vst v63  }
0xb7: {  	_ =	swait.ge [sflag:s12], $0x4000  }
0xb8: {  	s5 =	smov.u32 s7;
	[sflag:s12] =	ssyncset.done $0x0  }
0xb9: {  	s5 =	sadd.s32 s0, s10;
	[sflag:s12] =	ssyncadd.s32 $0xFFFFC000  }
0xba: {  	[tilespmem:s3], [sflag:$0x2] =	stream.linear.gather [hbm4b:s5+s3], $0x400, $0x38;
	[tilespmem:$0x1C800] =	vst v63  }
0xbb: {  	_ =	swait.ge [sflag:s12], $0x400  }
0xbc: {  	[sflag:s12] =	ssyncset.done $0x0  }
0xbd: {  	s7 =	sadd.s32 s0, s9;
	[sflag:s12] =	ssyncadd.s32 $0xFFFFFC00  }
0xbe: {  	[tilespmem:s13], [sflag:$0x2] =	stream.linear.gather [hbm4b:s7+s3], $0x400, $0x38;
	[tilespmem:$0x1C800] =	vst v63  }
0xbf: {  	_ =	swait.ge [sflag:s12], $0x400  }
0xc0: {  	[sflag:s12] =	ssyncset.done $0x0  }
0xc1: {  	[sflag:s12] =	ssyncadd.s32 $0xFFFFFC00  }
0xc2: {  	[tilespmem:s15], [sflag:$0x1] =	stream.indirect.gather [hbm4b:s4+s14], $0x80, s3, s14, $0xb8;
	[tilespmem:$0x1C800] =	vst v63  }
0xc3: {  	_ =	swait.ge [sflag:s16], $0x4000  }
0xc4: {  	[sflag:s16] =	ssyncset.done $0x0  }
0xc5: {  	[sflag:s16] =	ssyncadd.s32 $0xFFFFC000  }
0xc6: {  	[tilespmem:s17], [sflag:$0x1] =	stream.indirect.gather [hbm4b:s4+s14], $0x80, s14, s14, $0xb8;
	[tilespmem:$0x1C800] =	vst v63  }
0xc7: {  	_ = 	snop  }
0xc8: {  	[spmem:s2] =	stream.indirect.scatter.add.f32 [tilespmem:s15], [sflag:$0x2], $0x80, s13, s14, $0xb8;
	[tilespmem:$0x1C800] =	vst v63  }
0xc9: {  	_ =	swait.ge [sflag:s12], $0x4000  }
0xca: {  	[sflag:s12] =	ssyncset.done $0x0  }
0xcb: {  	[sflag:s12] =	ssyncadd.s32 $0xFFFFC000  }
0xcc: {  	_ =	swait.ge [sflag:s16], $0x4000  }
0xcd: {  	[sflag:s16] =	ssyncset.done $0x0  }
0xce: {  	[sflag:s16] =	ssyncadd.s32 $0xFFFFC000  }
0xcf: {  	[tilespmem:s15], [sflag:$0x1] =	stream.indirect.gather [hbm4b:s4+s14], $0x80, s18, s14, $0xb8;
	[tilespmem:$0x1C800] =	vst v63  }
0xd0: {  	_ = 	snop  }
0xd1: {  	[spmem:s2] =	stream.indirect.scatter.add.f32 [tilespmem:s17], [sflag:$0x2], $0x80, s19, s14, $0xb8;
	[tilespmem:$0x1C800] =	vst v63  }
0xd2: {  	_ =	swait.ge [sflag:s12], $0x4000  }
0xd3: {  	[sflag:s12] =	ssyncset.done $0x0  }
0xd4: {  	[sflag:s12] =	ssyncadd.s32 $0xFFFFC000  }
0xd5: {  	_ =	swait.ge [sflag:s16], $0x4000  }
0xd6: {  	[sflag:s16] =	ssyncset.done $0x0  }
0xd7: {  	[sflag:s16] =	ssyncadd.s32 $0xFFFFC000  }
0xd8: {  	[tilespmem:s17], [sflag:$0x1] =	stream.indirect.gather [hbm4b:s4+s14], $0x80, s20, s14, $0xb8;
	[tilespmem:$0x1C800] =	vst v63  }
0xd9: {  	_ = 	snop  }
0xda: {  	[spmem:s2] =	stream.indirect.scatter.add.f32 [tilespmem:s15], [sflag:$0x2], $0x80, s21, s14, $0xb8;
	[tilespmem:$0x1C800] =	vst v63  }
0xdb: {  	_ =	swait.ge [sflag:s12], $0x4000  }
0xdc: {  	[sflag:s12] =	ssyncset.done $0x0  }
0xdd: {  	[sflag:s12] =	ssyncadd.s32 $0xFFFFC000  }
0xde: {  	_ =	swait.ge [sflag:s16], $0x4000  }
0xdf: {  	[sflag:s16] =	ssyncset.done $0x0  }
0xe0: {  	[sflag:s16] =	ssyncadd.s32 $0xFFFFC000  }
0xe1: {  	[tilespmem:s15], [sflag:$0x1] =	stream.indirect.gather [hbm4b:s4+s14], $0x80, s22, s14, $0xb8;
	[tilespmem:$0x1C800] =	vst v63  }
0xe2: {  	_ = 	snop  }
0xe3: {  	[spmem:s2] =	stream.indirect.scatter.add.f32 [tilespmem:s17], [sflag:$0x2], $0x80, s23, s14, $0xb8;
	[tilespmem:$0x1C800] =	vst v63  }
0xe4: {  	_ =	swait.ge [sflag:s12], $0x4000  }
0xe5: {  	[sflag:s12] =	ssyncset.done $0x0  }
0xe6: {  	[sflag:s12] =	ssyncadd.s32 $0xFFFFC000  }
0xe7: {  	_ =	swait.ge [sflag:s16], $0x4000  }
0xe8: {  	[sflag:s16] =	ssyncset.done $0x0  }
0xe9: {  	[sflag:s16] =	ssyncadd.s32 $0xFFFFC000  }
0xea: {  	[tilespmem:s17], [sflag:$0x1] =	stream.indirect.gather [hbm4b:s4+s14], $0x80, s24, s14, $0xb8;
	[tilespmem:$0x1C800] =	vst v63  }
0xeb: {  	_ = 	snop  }
0xec: {  	[spmem:s2] =	stream.indirect.scatter.add.f32 [tilespmem:s15], [sflag:$0x2], $0x80, s25, s14, $0xb8;
	[tilespmem:$0x1C800] =	vst v63  }
0xed: {  	_ =	swait.ge [sflag:s12], $0x4000  }
0xee: {  	[sflag:s12] =	ssyncset.done $0x0  }
0xef: {  	[sflag:s12] =	ssyncadd.s32 $0xFFFFC000  }
0xf0: {  	_ =	swait.ge [sflag:s16], $0x4000  }
0xf1: {  	[sflag:s16] =	ssyncset.done $0x0  }
0xf2: {  	[sflag:s16] =	ssyncadd.s32 $0xFFFFC000  }
0xf3: {  	[tilespmem:s15], [sflag:$0x1] =	stream.indirect.gather [hbm4b:s4+s14], $0x80, s26, s14, $0xb8;
	[tilespmem:$0x1C800] =	vst v63  }
0xf4: {  	_ = 	snop  }
0xf5: {  	[spmem:s2] =	stream.indirect.scatter.add.f32 [tilespmem:s17], [sflag:$0x2], $0x80, s28, s14, $0xb8;
	[tilespmem:$0x1C800] =	vst v63  }
0xf6: {  	_ =	swait.ge [sflag:s12], $0x4000  }
0xf7: {  	[sflag:s12] =	ssyncset.done $0x0  }
0xf8: {  	[sflag:s12] =	ssyncadd.s32 $0xFFFFC000  }
0xf9: {  	_ =	swait.ge [sflag:s16], $0x4000  }
0xfa: {  	[sflag:s16] =	ssyncset.done $0x0  }
0xfb: {  	[sflag:s16] =	ssyncadd.s32 $0xFFFFC000  }
0xfc: {  	[tilespmem:s17], [sflag:$0x1] =	stream.indirect.gather [hbm4b:s4+s14], $0x80, s29, s14, $0xb8;
	[tilespmem:$0x1C800] =	vst v63  }
0xfd: {  	_ = 	snop  }
0xfe: {  	[spmem:s2] =	stream.indirect.scatter.add.f32 [tilespmem:s15], [sflag:$0x2], $0x80, s30, s14, $0xb8;
	[tilespmem:$0x1C800] =	vst v63  }
0xff: {  	_ =	swait.ge [sflag:s12], $0x4000  }
0x100: {  	[sflag:s12] =	ssyncset.done $0x0  }
0x101: {  	[sflag:s12] =	ssyncadd.s32 $0xFFFFC000  }
0x102: {  	_ =	swait.ge [sflag:s16], $0x4000  }
0x103: {  	[sflag:s16] =	ssyncset.done $0x0  }
0x104: {  	[sflag:s16] =	ssyncadd.s32 $0xFFFFC000  }
0x105: {  	[spmem:s2] =	stream.indirect.scatter.add.f32 [tilespmem:s17], [sflag:$0x2], $0x80, s31, s14, $0xb8;
	[tilespmem:$0x1C800] =	vst v63  }
0x106: {  	_ =	swait.ge [sflag:s12], $0x4000  }
0x107: {  	[sflag:s12] =	ssyncset.done $0x0  }
0x108: {  	[sflag:s12] =	ssyncadd.s32 $0xFFFFC000  }
0x109: {  	[bflag:$0x0] =	sbarrier.arrive $0xFFFF  }
0x10a: {  	s8 =	rddreg [dreg:$0x4]  }
0x10b: {  	s5 =	rddreg [dreg:$0x6]  }
0x10c: {  	[hbm:s8], [sflag:s11] =	dma.local [spmem:s5], $0x2800  }
0x10d: {  	_ =	swait.ge [sflag:s12], $0x2800  }
0x10e: {  	s6 =	smov.u32 s11;
	s1 =	sadd.s32 $0x1, s1;
	s11 =	rddreg [dreg:$0x5]  }
0x10f: {  	p0 =	sne.s32 s1, s11  }
.Ltmp1:
0x110: {  	_ = 	snop;
	(pc) =	sbr.rel @p0 .LBB2_1-.Ltmp1, $3  }
0x111: {  	_ =	sdelay $0x1  }
0x112: {  	[sflag:s12] =	ssyncset.done $0x0  }
0x113: {  	[sflag:s12] =	ssyncadd.s32 $0xFFFFD800  }
0x114: {  	_ =	sfence.sel $0x180000  }
0x115: {  	[bflag:$0x0] =	sbarrier.arrive $0xFFFF  }
0x116: {  	_ =	strace $0x9000004A  }
0x117: {  	s0 =	stileid.u32;
	[bflag:$0x2] =	sbarrier.arrive $0xFFFF  }
0x118: {  	p0 =	sne.s32 s0, $0x0;
	s0 =	rddreg [dreg:$0x2]  }
0x119: {  	s0 =	sadd.s32 @!p0 $0x100000, s0  }
0x11a: {  	[sflag:s0] =	ssyncadd.tile.s32 @!p0 $0x1;
	_ =	shalt  }
.Lfunc_end2:
_tile_overlayer_lowered:
.L_overlay_start_2:
0x11b: {  	(tag) =	ssettag $0x2  }
0x11c: {  	s0 =	rddreg [dreg:$0x0];
	s2 =	stileid.u32  }
0x11d: {  	s1 =	rddreg [dreg:$0x1];
	p0 =	sne.s32 s2, $0x0  }
0x11e: {  	s3 =	rddreg [dreg:$0x2];
	[bflag:$0x3] =	sbarrier.arrive $0xFFFF;
	s2 =	simm.s32 @!p0 $0x1C02  }
0x11f: {  	[timem:s3], [sflag:s2] =	dma.local @!p0 [hbm:s0], s1  }
0x120: {  	s0 =	simm.s32 @!p0 $0x2  }
0x121: {  	_ =	swait.ge @!p0 [sflag:s0], s1  }
0x122: {  	s1 =	ssub.s32 @!p0 $0x0, s1;
	[sflag:s0] =	ssyncset.done @!p0 $0x0  }
0x123: {  	[sflag:s0] =	ssyncadd.s32 @!p0 s1  }
0x124: {  	[bflag:$0x3] =	sbarrier.arrive $0xFFFF  }
0x125: {  	_ =	shalt  }

// kernel: kernel.16.cloned.1.call-start
scs
__scs_entry_jumppad:
0x0: {  	(pc) =	sbr.rel $0x88, $3  }
0x1: {  	(tag) =	ssettag $0x0;
	lr =	simm.s32 $0x1  }
0x2: {  	[smem:$0x3F8E] =	sst lr;
	_ =	strace $0xD0000000  }
0x3: {  	_ = 	snop  }
0x4: {  	_ = 	snop  }
0x5: {  	_ = 	snop  }
0x6: {  	_ = 	snop  }
0x7: {  	_ = 	snop  }
__scs_overlays_trampoline_lowered:
0x8: {  	[smem:$0x3F9D] =	sst s0  }
0x9: {  	[smem:$0x3F9E] =	sst s1  }
0xa: {  	[smem:$0x3F9F] =	sst s2  }
0xb: {  	[smem:$0x3FA0] =	sst s3  }
0xc: {  	[smem:$0x3FA1] =	sst s4  }
0xd: {  	[smem:$0x3FA2] =	sst s5  }
0xe: {  	[smem:$0x3FA3] =	sst s6  }
0xf: {  	[smem:$0x3FA4] =	sst s7  }
0x10: {  	[smem:$0x3FA5] =	sst s8  }
0x11: {  	[smem:$0x3FA6] =	sst s9;
	s0 =	simm.s32 @!p0 $0x0  }
0x12: {  	s1 =	sld [smem:$0x3F8C];
	s0 =	simm.s32 @p0 $0x1  }
0x13: {  	[smem:$0x3FA7] =	sst s0;
	s0 =	simm.s32 @!p1 $0x0  }
0x14: {  	s2 =	sld [smem:$0x3F8B];
	s0 =	simm.s32 @p1 $0x1  }
0x15: {  	[smem:$0x3FA8] =	sst s0;
	s0 =	simm.s32 @!p2 $0x0  }
0x16: {  	s3 =	sld [smem:$0x3FDB];
	s0 =	simm.s32 @p2 $0x1  }
0x17: {  	s4 =	simm.s32 $0x1BF5;
	[smem:$0x3FAA] =	sst s0  }
0x18: {  	s0 =	sld [smem:$0x3F8D];
	_ =	swait.ge [sflag:s4], $0x0  }
0x19: {  	s7 =	sld [smem:$0x3F8E]  }
0x1a: {  	s8 =	sadd.s32 $0xFFFFE003, lr  }
0x1b: {  	s9 =	sadd.s32 $0xFFFFFEF7, lr;
	s5 =	simm.s32 $0xFFFFFFFF;
	p2 =	slt.u32 s8, $0xFFFFF086  }
0x1c: {  	p1 =	slt.u32 s9, $0xF7A;
	s5 =	simm.s32 @!p2 $0x0  }
0x1d: {  	s5 =	simm.s32 @p1 $0x1;
	p0 =	seq.s32 s7, s2  }
0x1e: {  	s7 =	smul.u32 @!p0 $0xF7A, s2;
	p2 =	seq.s32 @!p0 s5, $0x0  }
0x1f: {  	s9 =	smul.u32 $0xF7A, s1;
	s8 =	simm.s32 @!p0 $0x1BF5;
	p2 =	por !p2, p0  }
0x20: {  	[sflag:s8] =	ssyncset.s32 @!p0 $0xFFFFF086;
	s6 =	sadd.s32 @!p0 s3, s7;
	s7 =	simm.s32 @!p0 $0x108  }
0x21: {  	s3 =	sadd.s32 s3, s9;
	s6 =	sadd.s32 @!p0 $0x88, s6;
	s7 =	simm.s32 @p2 $0x1082  }
0x22: {  	[simem:s7], [sflag:s8] =	dma.local @!p0 [hbm:s6], $0xF7A  }
0x23: {  	s9 =	sor.u32 $0xD0000000, s2;
	s6 =	simm.s32 $0x108;
	_ =	swait.ge @!p0 [sflag:s8], $0x0  }
0x24: {  	s3 =	sadd.s32 $0x88, s3;
	s6 =	simm.s32 @!p1 $0x1082;
	[sflag:s4] =	ssyncset.s32 $0xFFFFF086  }
0x25: {  	[simem:s6], [sflag:s4] =	dma.local [hbm:s3], $0xF7A  }
0x26: {  	[smem:$0x3F8E] =	sst s1;
	(tag) =	ssettag s2;
	_ =	strace s9  }
0x27: {  	s1 =	sld [smem:$0x3F9E]  }
0x28: {  	s2 =	sld [smem:$0x3F9F]  }
0x29: {  	s4 =	sld [smem:$0x3FA1]  }
0x2a: {  	p0 =	seq.s32 s5, $0x0;
	s5 =	sld [smem:$0x3FA2]  }
0x2b: {  	s6 =	sld [smem:$0x3FA3]  }
0x2c: {  	s7 =	sld [smem:$0x3FA4]  }
0x2d: {  	s3 =	simm.s32 $0x108;
	s8 =	sld [smem:$0x3FA5]  }
0x2e: {  	s3 =	simm.s32 @!p0 $0x1082;
	s9 =	sld [smem:$0x3FA6]  }
0x2f: {  	lr =	sadd.s32 s0, s3;
	s0 =	sld [smem:$0x3F9D]  }
0x30: {  	s3 =	sld [smem:$0x3FA0]  }
0x31: {  	[smem:$0x3FA9] =	sst s10  }
0x32: {  	s10 =	sld [smem:$0x3FA7];
	_ =	sdelay $0x3  }
0x33: {  	p0 =	seq.s32 s10, $0x1;
	s10 =	sld [smem:$0x3FA9];
	_ =	sdelay $0x3  }
0x34: {  	[smem:$0x3FA9] =	sst s10  }
0x35: {  	s10 =	sld [smem:$0x3FA8];
	_ =	sdelay $0x3  }
0x36: {  	p1 =	seq.s32 s10, $0x1;
	s10 =	sld [smem:$0x3FA9];
	_ =	sdelay $0x3  }
0x37: {  	[smem:$0x3FA9] =	sst s10  }
0x38: {  	s10 =	sld [smem:$0x3FAA]  }
0x39: {  	_ = 	snop;
	(pc) =	sbr.ind lr, $3  }
0x3a: {  	_ = 	snop  }
0x3b: {  	_ = 	snop  }
0x3c: {  	p2 =	seq.s32 s10, $0x1;
	s10 =	sld [smem:$0x3FA9]  }
0x3d: {  	_ =	shalt  }
0x3e: {  	_ =	shalt  }
0x3f: {  	_ =	shalt  }
0x40: {  	_ =	shalt  }
0x41: {  	_ =	shalt  }
0x42: {  	_ =	shalt  }
0x43: {  	_ =	shalt  }
0x44: {  	_ =	shalt  }
0x45: {  	_ =	shalt  }
0x46: {  	_ =	shalt  }
0x47: {  	_ =	shalt  }
0x48: {  	_ =	shalt  }
0x49: {  	_ =	shalt  }
0x4a: {  	_ =	shalt  }
0x4b: {  	_ =	shalt  }
0x4c: {  	_ =	shalt  }
0x4d: {  	_ =	shalt  }
0x4e: {  	_ =	shalt  }
0x4f: {  	_ =	shalt  }
0x50: {  	_ =	shalt  }
0x51: {  	_ =	shalt  }
0x52: {  	_ =	shalt  }
0x53: {  	_ =	shalt  }
0x54: {  	_ =	shalt  }
0x55: {  	_ =	shalt  }
0x56: {  	_ =	shalt  }
0x57: {  	_ =	shalt  }
0x58: {  	_ =	shalt  }
0x59: {  	_ =	shalt  }
0x5a: {  	_ =	shalt  }
0x5b: {  	_ =	shalt  }
0x5c: {  	_ =	shalt  }
0x5d: {  	_ =	shalt  }
0x5e: {  	_ =	shalt  }
0x5f: {  	_ =	shalt  }
0x60: {  	_ =	shalt  }
0x61: {  	_ =	shalt  }
0x62: {  	_ =	shalt  }
0x63: {  	_ =	shalt  }
0x64: {  	_ =	shalt  }
0x65: {  	_ =	shalt  }
0x66: {  	_ =	shalt  }
0x67: {  	_ =	shalt  }
0x68: {  	_ =	shalt  }
0x69: {  	_ =	shalt  }
0x6a: {  	_ =	shalt  }
0x6b: {  	_ =	shalt  }
0x6c: {  	_ =	shalt  }
0x6d: {  	_ =	shalt  }
0x6e: {  	_ =	shalt  }
0x6f: {  	_ =	shalt  }
0x70: {  	_ =	shalt  }
0x71: {  	_ =	shalt  }
0x72: {  	_ =	shalt  }
0x73: {  	_ =	shalt  }
0x74: {  	_ =	shalt  }
0x75: {  	_ =	shalt  }
0x76: {  	_ =	shalt  }
0x77: {  	_ =	shalt  }
0x78: {  	_ =	shalt  }
0x79: {  	_ =	shalt  }
0x7a: {  	_ =	shalt  }
0x7b: {  	_ =	shalt  }
0x7c: {  	_ =	shalt  }
0x7d: {  	_ =	shalt  }
0x7e: {  	_ =	shalt  }
0x7f: {  	_ =	shalt  }
0x80: {  	_ =	shalt  }
0x81: {  	_ =	shalt  }
0x82: {  	_ =	shalt  }
0x83: {  	_ =	shalt  }
0x84: {  	_ =	shalt  }
0x85: {  	_ =	shalt  }
0x86: {  	_ =	shalt  }
0x87: {  	_ =	shalt  }
.Lfunc_end0:
.L_simem_size_0:
called_computation.2_lowered:
.L_overlay_start_0:
0x88: {  	s2 =	sld [smem:$0x3FD9]  }
0x89: {  	s3 =	sld [smem:$0x3FFE];
	_ =	sdelay $0x1  }
0x8a: {  	s1 =	srdreg.scid  }
0x8b: {  	s0 =	sand.u32 $0x1, s1  }
0x8c: {  	s16 =	sshll.u32 s0, $0xA;
	s2 =	sadd.s32 s3, s2  }
0x8d: {  	s2 =	sadd.s32 s2, s16  }
0x8e: {  	[smem:$0x3FB5] =	sst s2  }
0x8f: {  	_ = 	snop  }
0x90: {  	(tm) =	ssettm $0x1  }
0x91: {  	s17 =	sld [smem:$0x3FFB];
	_ =	sdelay $0x3  }
0x92: {  	_ =	strace s17  }
0x93: {  	s2 =	sld [smem:$0x3FFC];
	_ =	sdelay $0x3  }
0x94: {  	_ =	strace s2  }
0x95: {  	s2 =	sld [smem:$0x3FFD];
	_ =	sdelay $0x3  }
0x96: {  	_ =	strace s2  }
0x97: {  	_ =	strace $0x8FFFFFFF  }
0x98: {  	s18 =	sld [smem:$0x3FDB];
	_ =	sdelay $0x1  }
0x99: {  	s19 =	simm.s32 $_scs_section_size  }
0x9a: {  	s4 =	simm.s32 $_size__tile_overlayer_lowered;
	s5 =	simm.s32 $_tile_overlayer_lowered  }
0x9b: {  	s22 =	simm.s32 $0x1BFF;
	s21 =	sshll.u32 s5, $0x1;
	s2 =	sadd.s32 s19, s18  }
0x9c: {  	s6 =	simm.s32 $0x0;
	s20 =	sshll.u32 s4, $0x1;
	s4 =	sadd.s32 s21, s2  }
0x9d: {  	[timem:s6], [sflag:s22] =	dma.local [hbm:s4], s20  }
0x9e: {  	_ =	swait.ge [sflag:s22], s20  }
0x9f: {  	s3 =	ssub.s32 $0x0, s20;
	[sflag:s22] =	ssyncset.done $0x0  }
0xa0: {  	[sflag:s22] =	ssyncadd.s32 s3;
	_ =	sdelay $0x1  }
0xa1: {  	s23 =	simm.s32 $0x1B8B  }
0xa2: {  	_ =	swait.ge [sflag:s23], $0x1  }
0xa3: {  	[sflag:s23] =	ssyncset.done $0x0  }
0xa4: {  	s25 =	simm.s32 $0x1B8E;
	s24 =	sld [smem:$0x3FFE];
	[sflag:s23] =	ssyncadd.s32 $0xFFFFFFFF  }
0xa5: {  	s26 =	simm.s32 $execute0_lowered;
	[smem:$0x3FD2] =	sst s25  }
0xa6: {  	s4 =	sshll.u32 s26, $0x1;
	_ =	strace $0x8000004C;
	[dreg:$0x1] =	wrdreg $0xFFFFFFFF  }
0xa7: {  	s28 =	simm.s32 $_size_execute0_lowered;
	s2 =	sadd.s32 s2, s4;
	[dreg:$0x0] =	wrdreg $0x0  }
0xa8: {  	s4 =	sshll.u32 s28, $0x1;
	[dreg:$0x2] =	wrdreg s2  }
0xa9: {  	[dreg:$0x3] =	wrdreg s4  }
0xaa: {  	[dreg:$0x4] =	wrdreg $0xC0  }
0xab: {  	_ =	task [dreg:s6], $0x5FFFF  }
0xac: {  	[dreg:$0x1] =	wrdreg $0xFFFFFFFF  }
0xad: {  	[dreg:$0x0] =	wrdreg $0x60  }
0xae: {  	[dreg:$0x2] =	wrdreg s24  }
0xaf: {  	[dreg:$0x3] =	wrdreg $0x88000  }
0xb0: {  	[dreg:$0x4] =	wrdreg $0x9  }
0xb1: {  	_ =	task.clear_ibuf [dreg:s6], $0x5FFFF;
	_ =	strace $0x9000004C  }
0xb2: {  	s29 =	simm.s32 $0x9;
	_ =	strace $0x8000004E  }
0xb3: {  	_ =	swait.ge [sflag:s29], $0x1  }
0xb4: {  	[sflag:s29] =	ssyncadd.s32 $0xFFFFFFFF  }
0xb5: {  	_ =	strace $0x9000004E  }
0xb6: {  	_ =	sfence  }
0xb7: {  	s30 =	sld [smem:$0x0];
	_ =	sdelay $0x2  }
0xb8: {  	s31 =	sshll.u32 s1, $0xD;
	s1 =	sshrl.u32 s1, $0x2  }
0xb9: {  	s3 =	sand.u32 $0x4000, s31;
	s1 =	sadd.s32 s1, s30  }
0xba: {  	s0 =	sor.u32 s3, s0;
	s1 =	sshll.u32 s1, $0x11  }
0xbb: {  	s0 =	sor.u32 s1, s0  }
0xbc: {  	s0 =	sadd.s32 $0x8F2B, s0  }
0xbd: {  	[sflag:s0] =	ssyncadd.remote.s32 $0x1  }
0xbe: {  	_ =	sfence.sel $0xFFFF  }
0xbf: {  	[dreg:$0x0] =	wrdreg $0xFFFFFFFF;
	(pc) =	sbr.abs _section_cstart, $3  }
0xc0: {  	[dreg:$0x1] =	wrdreg $0xFFFFFFFF  }
0xc1: {  	_ =	task.clear_ibuf [dreg:s6], $0x2FFFF;
	_ =	strace $0x9FFFFFFF  }
0xc2: {  	(tm) =	ssettm $0x7FFFFFFF  }
0xc3: {  	_ =	shalt  }
tec
execute0_lowered:
.L_overlay_start_1:
0x0: {  	(tag) =	ssettag $0x1  }
0x1: {  	s0 =	srdreg.scid  }
0x2: {  	s8 =	stileid.u32;
	s1 =	rddreg [dreg:$0x0]  }
0x3: {  	s2 =	rddreg [dreg:$0x1];
	s3 =	simm.s32 $0x0;
	s12 =	simm.s32 $0x2  }
0x4: {  	s13 =	simm.s32 $0x400;
	s14 =	simm.s32 $0x80;
	s15 =	simm.s32 $0x800  }
0x5: {  	s16 =	simm.s32 $0x1;
	s17 =	simm.s32 $0x4800;
	s18 =	simm.s32 $0x100  }
0x6: {  	s19 =	simm.s32 $0x480;
	s20 =	simm.s32 $0x180;
	s21 =	simm.s32 $0x500  }
0x7: {  	s28 =	simm.s32 $0x680;
	s29 =	simm.s32 $0x380;
	s4 =	smul.u32 $0x5800, s8  }
0x8: {  	s30 =	simm.s32 $0x700;
	s31 =	simm.s32 $0x780;
	s22 =	smul.u32 $0x14000, s8  }
0x9: {  	s0 =	sand.u32 $0x1, s0;
	[smem:$0x7FF] =	sst s3;
	s23 =	smul.u32 $0x50000, s8  }
0xa: {  	s9 =	sadd.s32 $0x2C00, s1;
	s26 =	sshll.u32 s8, $0x6;
	s5 =	smul.u32 $0x2C00, s0  }
0xb: {  	s6 =	smul.u32 $0x140000, s0;
	_ =	strace $0x8000004D;
	s0 =	ssub.s32 $0x2, s0  }
0xc: {  	[dreg:$0x3] =	wrdreg s9;
	s24 =	sshrl.u32 s0, $0x1;
	s25 =	sshrl.u32 s23, $0x2  }
0xd: {  	s23 =	simm.s32 $0x580;
	s4 =	sadd.s32 s5, s4;
	s5 =	sadd.s32 s22, s6  }
0xe: {  	s0 =	ssub.s32 s0, s24;
	s6 =	sor.u32 $0x1C02, s26;
	s22 =	simm.s32 $0x200  }
0xf: {  	s24 =	simm.s32 $0x280;
	s26 =	simm.s32 $0x300;
	s7 =	sshrl.u32 s4, $0x3  }
0x10: {  	s4 =	sadd.s32 $0x22A00, s1;
	s5 =	sshrl.u32 s5, $0x3;
	s0 =	smax.u32 s0, $0x1  }
0x11: {  	s7 =	sadd.s32 s7, s1;
	s1 =	sadd.s32 s5, s1;
	s5 =	sadd.s32 s25, s2  }
0x12: {  	[dreg:$0x5] =	wrdreg s0;
	s25 =	simm.s32 $0x600;
	s1 =	sadd.s32 $0x49C00, s1  }
0x13: {  	s9 =	sadd.s32 $0x17A00, s7;
	s5 =	sshrl.u32 s5, $0x3;
	[dreg:$0x4] =	wrdreg s1  }
0x14: {  	s10 =	sadd.s32 $0xCA00, s7;
	s1 =	simm.s32 $0x0;
	[dreg:$0x6] =	wrdreg s5  }
.LBB2_1:
0x15: {  	s0 =	rddreg [dreg:$0x3]  }
0x16: {  	[spmem:s5], [sflag:s6] =	dma.local [hbm:s0], $0x2800  }
0x17: {  	_ =	swait.ge [sflag:s12], $0x2800  }
0x18: {  	[sflag:s12] =	ssyncset.done $0x0  }
0x19: {  	[sflag:s12] =	ssyncadd.s32 $0xFFFFD800  }
0x1a: {  	s7 =	sadd.s32 $0x0, s10;
	[bflag:$0x0] =	sbarrier.arrive $0xFFFF  }
0x1b: {  	[tilespmem:s3], [sflag:$0x2] =	stream.linear.gather [hbm4b:s7+s3], $0x400, $0x38;
	[tilespmem:$0x1C800] =	vst v63  }
0x1c: {  	_ =	swait.ge [sflag:s12], $0x400  }
0x1d: {  	[sflag:s12] =	ssyncset.done $0x0  }
0x1e: {  	s8 =	sadd.s32 $0x0, s9;
	[sflag:s12] =	ssyncadd.s32 $0xFFFFFC00  }
0x1f: {  	[tilespmem:s13], [sflag:$0x2] =	stream.linear.gather [hbm4b:s8+s3], $0x400, $0x38;
	[tilespmem:$0x1C800] =	vst v63  }
0x20: {  	_ =	swait.ge [sflag:s12], $0x400  }
0x21: {  	[sflag:s12] =	ssyncset.done $0x0  }
0x22: {  	[sflag:s12] =	ssyncadd.s32 $0xFFFFFC00  }
0x23: {  	[tilespmem:s15], [sflag:$0x1] =	stream.indirect.gather [hbm4b:s4+s14], $0x80, s3, s14, $0xb8;
	[tilespmem:$0x1C800] =	vst v63  }
0x24: {  	_ =	swait.ge [sflag:s16], $0x4000  }
0x25: {  	[sflag:s16] =	ssyncset.done $0x0  }
0x26: {  	[sflag:s16] =	ssyncadd.s32 $0xFFFFC000  }
0x27: {  	[tilespmem:s17], [sflag:$0x1] =	stream.indirect.gather [hbm4b:s4+s14], $0x80, s14, s14, $0xb8;
	[tilespmem:$0x1C800] =	vst v63  }
0x28: {  	_ = 	snop  }
0x29: {  	[spmem:s2] =	stream.indirect.scatter.add.f32 [tilespmem:s15], [sflag:$0x2], $0x80, s13, s14, $0xb8;
	[tilespmem:$0x1C800] =	vst v63  }
0x2a: {  	_ =	swait.ge [sflag:s12], $0x4000  }
0x2b: {  	[sflag:s12] =	ssyncset.done $0x0  }
0x2c: {  	[sflag:s12] =	ssyncadd.s32 $0xFFFFC000  }
0x2d: {  	_ =	swait.ge [sflag:s16], $0x4000  }
0x2e: {  	[sflag:s16] =	ssyncset.done $0x0  }
0x2f: {  	[sflag:s16] =	ssyncadd.s32 $0xFFFFC000  }
0x30: {  	[tilespmem:s15], [sflag:$0x1] =	stream.indirect.gather [hbm4b:s4+s14], $0x80, s18, s14, $0xb8;
	[tilespmem:$0x1C800] =	vst v63  }
0x31: {  	_ = 	snop  }
0x32: {  	[spmem:s2] =	stream.indirect.scatter.add.f32 [tilespmem:s17], [sflag:$0x2], $0x80, s19, s14, $0xb8;
	[tilespmem:$0x1C800] =	vst v63  }
0x33: {  	_ =	swait.ge [sflag:s12], $0x4000  }
0x34: {  	[sflag:s12] =	ssyncset.done $0x0  }
0x35: {  	[sflag:s12] =	ssyncadd.s32 $0xFFFFC000  }
0x36: {  	_ =	swait.ge [sflag:s16], $0x4000  }
0x37: {  	[sflag:s16] =	ssyncset.done $0x0  }
0x38: {  	[sflag:s16] =	ssyncadd.s32 $0xFFFFC000  }
0x39: {  	[tilespmem:s17], [sflag:$0x1] =	stream.indirect.gather [hbm4b:s4+s14], $0x80, s20, s14, $0xb8;
	[tilespmem:$0x1C800] =	vst v63  }
0x3a: {  	_ = 	snop  }
0x3b: {  	[spmem:s2] =	stream.indirect.scatter.add.f32 [tilespmem:s15], [sflag:$0x2], $0x80, s21, s14, $0xb8;
	[tilespmem:$0x1C800] =	vst v63  }
0x3c: {  	_ =	swait.ge [sflag:s12], $0x4000  }
0x3d: {  	[sflag:s12] =	ssyncset.done $0x0  }
0x3e: {  	[sflag:s12] =	ssyncadd.s32 $0xFFFFC000  }
0x3f: {  	_ =	swait.ge [sflag:s16], $0x4000  }
0x40: {  	[sflag:s16] =	ssyncset.done $0x0  }
0x41: {  	[sflag:s16] =	ssyncadd.s32 $0xFFFFC000  }
0x42: {  	[tilespmem:s15], [sflag:$0x1] =	stream.indirect.gather [hbm4b:s4+s14], $0x80, s22, s14, $0xb8;
	[tilespmem:$0x1C800] =	vst v63  }
0x43: {  	_ = 	snop  }
0x44: {  	[spmem:s2] =	stream.indirect.scatter.add.f32 [tilespmem:s17], [sflag:$0x2], $0x80, s23, s14, $0xb8;
	[tilespmem:$0x1C800] =	vst v63  }
0x45: {  	_ =	swait.ge [sflag:s12], $0x4000  }
0x46: {  	[sflag:s12] =	ssyncset.done $0x0  }
0x47: {  	[sflag:s12] =	ssyncadd.s32 $0xFFFFC000  }
0x48: {  	_ =	swait.ge [sflag:s16], $0x4000  }
0x49: {  	[sflag:s16] =	ssyncset.done $0x0  }
0x4a: {  	[sflag:s16] =	ssyncadd.s32 $0xFFFFC000  }
0x4b: {  	[tilespmem:s17], [sflag:$0x1] =	stream.indirect.gather [hbm4b:s4+s14], $0x80, s24, s14, $0xb8;
	[tilespmem:$0x1C800] =	vst v63  }
0x4c: {  	_ = 	snop  }
0x4d: {  	[spmem:s2] =	stream.indirect.scatter.add.f32 [tilespmem:s15], [sflag:$0x2], $0x80, s25, s14, $0xb8;
	[tilespmem:$0x1C800] =	vst v63  }
0x4e: {  	_ =	swait.ge [sflag:s12], $0x4000  }
0x4f: {  	[sflag:s12] =	ssyncset.done $0x0  }
0x50: {  	[sflag:s12] =	ssyncadd.s32 $0xFFFFC000  }
0x51: {  	_ =	swait.ge [sflag:s16], $0x4000  }
0x52: {  	[sflag:s16] =	ssyncset.done $0x0  }
0x53: {  	[sflag:s16] =	ssyncadd.s32 $0xFFFFC000  }
0x54: {  	[tilespmem:s15], [sflag:$0x1] =	stream.indirect.gather [hbm4b:s4+s14], $0x80, s26, s14, $0xb8;
	[tilespmem:$0x1C800] =	vst v63  }
0x55: {  	_ = 	snop  }
0x56: {  	[spmem:s2] =	stream.indirect.scatter.add.f32 [tilespmem:s17], [sflag:$0x2], $0x80, s28, s14, $0xb8;
	[tilespmem:$0x1C800] =	vst v63  }
0x57: {  	_ =	swait.ge [sflag:s12], $0x4000  }
0x58: {  	[sflag:s12] =	ssyncset.done $0x0  }
0x59: {  	[sflag:s12] =	ssyncadd.s32 $0xFFFFC000  }
0x5a: {  	_ =	swait.ge [sflag:s16], $0x4000  }
0x5b: {  	[sflag:s16] =	ssyncset.done $0x0  }
0x5c: {  	[sflag:s16] =	ssyncadd.s32 $0xFFFFC000  }
0x5d: {  	[tilespmem:s17], [sflag:$0x1] =	stream.indirect.gather [hbm4b:s4+s14], $0x80, s29, s14, $0xb8;
	[tilespmem:$0x1C800] =	vst v63  }
0x5e: {  	_ = 	snop  }
0x5f: {  	[spmem:s2] =	stream.indirect.scatter.add.f32 [tilespmem:s15], [sflag:$0x2], $0x80, s30, s14, $0xb8;
	[tilespmem:$0x1C800] =	vst v63  }
0x60: {  	_ =	swait.ge [sflag:s12], $0x4000  }
0x61: {  	[sflag:s12] =	ssyncset.done $0x0  }
0x62: {  	[sflag:s12] =	ssyncadd.s32 $0xFFFFC000  }
0x63: {  	_ =	swait.ge [sflag:s16], $0x4000  }
0x64: {  	[sflag:s16] =	ssyncset.done $0x0  }
0x65: {  	[sflag:s16] =	ssyncadd.s32 $0xFFFFC000  }
0x66: {  	[spmem:s2] =	stream.indirect.scatter.add.f32 [tilespmem:s17], [sflag:$0x2], $0x80, s31, s14, $0xb8;
	[tilespmem:$0x1C800] =	vst v63  }
0x67: {  	s11 =	smov.u32 s6;
	_ =	swait.ge [sflag:s12], $0x4000  }
0x68: {  	s0 =	simm.s32 $0x80;
	s5 =	simm.s32 $0x100;
	[sflag:s12] =	ssyncset.done $0x0  }
.LBB2_2:
0x69: {  	s8 =	sadd.s32 s0, s10  }
0x6a: {  	[sflag:s12] =	ssyncadd.s32 $0xFFFFC000;
	s6 =	smov.u32 s5;
	s7 =	sadd.s32 $0x80, s5  }
0x6b: {  	[tilespmem:s3], [sflag:$0x2] =	stream.linear.gather [hbm4b:s8+s3], $0x400, $0x38;
	[tilespmem:$0x1C800] =	vst v63  }
0x6c: {  	p0 =	sne.s32 s5, $0x500;
	_ =	swait.ge [sflag:s12], $0x400  }
0x6d: {  	[sflag:s12] =	ssyncset.done $0x0  }
0x6e: {  	s5 =	sadd.s32 s0, s9;
	s0 =	smov.u32 s6;
	[sflag:s12] =	ssyncadd.s32 $0xFFFFFC00  }
0x6f: {  	[tilespmem:s13], [sflag:$0x2] =	stream.linear.gather [hbm4b:s5+s3], $0x400, $0x38;
	[tilespmem:$0x1C800] =	vst v63  }
0x70: {  	_ =	swait.ge [sflag:s12], $0x400  }
0x71: {  	[sflag:s12] =	ssyncset.done $0x0  }
0x72: {  	[sflag:s12] =	ssyncadd.s32 $0xFFFFFC00  }
0x73: {  	[tilespmem:s15], [sflag:$0x1] =	stream.indirect.gather [hbm4b:s4+s14], $0x80, s3, s14, $0xb8;
	[tilespmem:$0x1C800] =	vst v63  }
0x74: {  	_ =	swait.ge [sflag:s16], $0x4000  }
0x75: {  	[sflag:s16] =	ssyncset.done $0x0  }
0x76: {  	[sflag:s16] =	ssyncadd.s32 $0xFFFFC000  }
0x77: {  	[tilespmem:s17], [sflag:$0x1] =	stream.indirect.gather [hbm4b:s4+s14], $0x80, s14, s14, $0xb8;
	[tilespmem:$0x1C800] =	vst v63  }
0x78: {  	_ = 	snop  }
0x79: {  	[spmem:s2] =	stream.indirect.scatter.add.f32 [tilespmem:s15], [sflag:$0x2], $0x80, s13, s14, $0xb8;
	[tilespmem:$0x1C800] =	vst v63  }
0x7a: {  	_ =	swait.ge [sflag:s12], $0x4000  }
0x7b: {  	[sflag:s12] =	ssyncset.done $0x0  }
0x7c: {  	[sflag:s12] =	ssyncadd.s32 $0xFFFFC000  }
0x7d: {  	_ =	swait.ge [sflag:s16], $0x4000  }
0x7e: {  	[sflag:s16] =	ssyncset.done $0x0  }
0x7f: {  	[sflag:s16] =	ssyncadd.s32 $0xFFFFC000  }
0x80: {  	[tilespmem:s15], [sflag:$0x1] =	stream.indirect.gather [hbm4b:s4+s14], $0x80, s18, s14, $0xb8;
	[tilespmem:$0x1C800] =	vst v63  }
0x81: {  	_ = 	snop  }
0x82: {  	[spmem:s2] =	stream.indirect.scatter.add.f32 [tilespmem:s17], [sflag:$0x2], $0x80, s19, s14, $0xb8;
	[tilespmem:$0x1C800] =	vst v63  }
0x83: {  	_ =	swait.ge [sflag:s12], $0x4000  }
0x84: {  	[sflag:s12] =	ssyncset.done $0x0  }
0x85: {  	[sflag:s12] =	ssyncadd.s32 $0xFFFFC000  }
0x86: {  	_ =	swait.ge [sflag:s16], $0x4000  }
0x87: {  	[sflag:s16] =	ssyncset.done $0x0  }
0x88: {  	[sflag:s16] =	ssyncadd.s32 $0xFFFFC000  }
0x89: {  	[tilespmem:s17], [sflag:$0x1] =	stream.indirect.gather [hbm4b:s4+s14], $0x80, s20, s14, $0xb8;
	[tilespmem:$0x1C800] =	vst v63  }
0x8a: {  	_ = 	snop  }
0x8b: {  	[spmem:s2] =	stream.indirect.scatter.add.f32 [tilespmem:s15], [sflag:$0x2], $0x80, s21, s14, $0xb8;
	[tilespmem:$0x1C800] =	vst v63  }
0x8c: {  	_ =	swait.ge [sflag:s12], $0x4000  }
0x8d: {  	[sflag:s12] =	ssyncset.done $0x0  }
0x8e: {  	[sflag:s12] =	ssyncadd.s32 $0xFFFFC000  }
0x8f: {  	_ =	swait.ge [sflag:s16], $0x4000  }
0x90: {  	[sflag:s16] =	ssyncset.done $0x0  }
0x91: {  	[sflag:s16] =	ssyncadd.s32 $0xFFFFC000  }
0x92: {  	[tilespmem:s15], [sflag:$0x1] =	stream.indirect.gather [hbm4b:s4+s14], $0x80, s22, s14, $0xb8;
	[tilespmem:$0x1C800] =	vst v63  }
0x93: {  	_ = 	snop  }
0x94: {  	[spmem:s2] =	stream.indirect.scatter.add.f32 [tilespmem:s17], [sflag:$0x2], $0x80, s23, s14, $0xb8;
	[tilespmem:$0x1C800] =	vst v63  }
0x95: {  	_ =	swait.ge [sflag:s12], $0x4000  }
0x96: {  	[sflag:s12] =	ssyncset.done $0x0  }
0x97: {  	[sflag:s12] =	ssyncadd.s32 $0xFFFFC000  }
0x98: {  	_ =	swait.ge [sflag:s16], $0x4000  }
0x99: {  	[sflag:s16] =	ssyncset.done $0x0  }
0x9a: {  	[sflag:s16] =	ssyncadd.s32 $0xFFFFC000  }
0x9b: {  	[tilespmem:s17], [sflag:$0x1] =	stream.indirect.gather [hbm4b:s4+s14], $0x80, s24, s14, $0xb8;
	[tilespmem:$0x1C800] =	vst v63  }
0x9c: {  	_ = 	snop  }
0x9d: {  	[spmem:s2] =	stream.indirect.scatter.add.f32 [tilespmem:s15], [sflag:$0x2], $0x80, s25, s14, $0xb8;
	[tilespmem:$0x1C800] =	vst v63  }
0x9e: {  	_ =	swait.ge [sflag:s12], $0x4000  }
0x9f: {  	[sflag:s12] =	ssyncset.done $0x0  }
0xa0: {  	[sflag:s12] =	ssyncadd.s32 $0xFFFFC000  }
0xa1: {  	_ =	swait.ge [sflag:s16], $0x4000  }
0xa2: {  	[sflag:s16] =	ssyncset.done $0x0  }
0xa3: {  	[sflag:s16] =	ssyncadd.s32 $0xFFFFC000  }
0xa4: {  	[tilespmem:s15], [sflag:$0x1] =	stream.indirect.gather [hbm4b:s4+s14], $0x80, s26, s14, $0xb8;
	[tilespmem:$0x1C800] =	vst v63  }
0xa5: {  	_ = 	snop  }
0xa6: {  	[spmem:s2] =	stream.indirect.scatter.add.f32 [tilespmem:s17], [sflag:$0x2], $0x80, s28, s14, $0xb8;
	[tilespmem:$0x1C800] =	vst v63  }
0xa7: {  	_ =	swait.ge [sflag:s12], $0x4000  }
0xa8: {  	[sflag:s12] =	ssyncset.done $0x0  }
0xa9: {  	[sflag:s12] =	ssyncadd.s32 $0xFFFFC000  }
0xaa: {  	_ =	swait.ge [sflag:s16], $0x4000  }
0xab: {  	[sflag:s16] =	ssyncset.done $0x0  }
0xac: {  	[sflag:s16] =	ssyncadd.s32 $0xFFFFC000  }
0xad: {  	[tilespmem:s17], [sflag:$0x1] =	stream.indirect.gather [hbm4b:s4+s14], $0x80, s29, s14, $0xb8;
	[tilespmem:$0x1C800] =	vst v63  }
0xae: {  	_ = 	snop  }
0xaf: {  	[spmem:s2] =	stream.indirect.scatter.add.f32 [tilespmem:s15], [sflag:$0x2], $0x80, s30, s14, $0xb8;
	[tilespmem:$0x1C800] =	vst v63  }
0xb0: {  	_ =	swait.ge [sflag:s12], $0x4000  }
0xb1: {  	[sflag:s12] =	ssyncset.done $0x0  }
0xb2: {  	[sflag:s12] =	ssyncadd.s32 $0xFFFFC000  }
0xb3: {  	_ =	swait.ge [sflag:s16], $0x4000  }
.Ltmp0:
0xb4: {  	[sflag:s16] =	ssyncset.done $0x0;
	(pc) =	sbr.rel @p0 .LBB2_2-.Ltmp0, $4  }
0xb5: {  	[sflag:s16] =	ssyncadd.s32 $0xFFFFC000  }
0xb6: {  	[spmem:s2] =	stream.indirect.scatter.add.f32 [tilespmem:s17], [sflag:$0x2], $0x80, s31, s14, $0xb8;
	[tilespmem:$0x1C800] =	vst v63  }
0xb7: {  	_ =	swait.ge [sflag:s12], $0x4000  }
0xb8: {  	s5 =	smov.u32 s7;
	[sflag:s12] =	ssyncset.done $0x0  }
0xb9: {  	s5 =	sadd.s32 s0, s10;
	[sflag:s12] =	ssyncadd.s32 $0xFFFFC000  }
0xba: {  	[tilespmem:s3], [sflag:$0x2] =	stream.linear.gather [hbm4b:s5+s3], $0x400, $0x38;
	[tilespmem:$0x1C800] =	vst v63  }
0xbb: {  	_ =	swait.ge [sflag:s12], $0x400  }
0xbc: {  	[sflag:s12] =	ssyncset.done $0x0  }
0xbd: {  	s7 =	sadd.s32 s0, s9;
	[sflag:s12] =	ssyncadd.s32 $0xFFFFFC00  }
0xbe: {  	[tilespmem:s13], [sflag:$0x2] =	stream.linear.gather [hbm4b:s7+s3], $0x400, $0x38;
	[tilespmem:$0x1C800] =	vst v63  }
0xbf: {  	_ =	swait.ge [sflag:s12], $0x400  }
0xc0: {  	[sflag:s12] =	ssyncset.done $0x0  }
0xc1: {  	[sflag:s12] =	ssyncadd.s32 $0xFFFFFC00  }
0xc2: {  	[tilespmem:s15], [sflag:$0x1] =	stream.indirect.gather [hbm4b:s4+s14], $0x80, s3, s14, $0xb8;
	[tilespmem:$0x1C800] =	vst v63  }
0xc3: {  	_ =	swait.ge [sflag:s16], $0x4000  }
0xc4: {  	[sflag:s16] =	ssyncset.done $0x0  }
0xc5: {  	[sflag:s16] =	ssyncadd.s32 $0xFFFFC000  }
0xc6: {  	[tilespmem:s17], [sflag:$0x1] =	stream.indirect.gather [hbm4b:s4+s14], $0x80, s14, s14, $0xb8;
	[tilespmem:$0x1C800] =	vst v63  }
0xc7: {  	_ = 	snop  }
0xc8: {  	[spmem:s2] =	stream.indirect.scatter.add.f32 [tilespmem:s15], [sflag:$0x2], $0x80, s13, s14, $0xb8;
	[tilespmem:$0x1C800] =	vst v63  }
0xc9: {  	_ =	swait.ge [sflag:s12], $0x4000  }
0xca: {  	[sflag:s12] =	ssyncset.done $0x0  }
0xcb: {  	[sflag:s12] =	ssyncadd.s32 $0xFFFFC000  }
0xcc: {  	_ =	swait.ge [sflag:s16], $0x4000  }
0xcd: {  	[sflag:s16] =	ssyncset.done $0x0  }
0xce: {  	[sflag:s16] =	ssyncadd.s32 $0xFFFFC000  }
0xcf: {  	[tilespmem:s15], [sflag:$0x1] =	stream.indirect.gather [hbm4b:s4+s14], $0x80, s18, s14, $0xb8;
	[tilespmem:$0x1C800] =	vst v63  }
0xd0: {  	_ = 	snop  }
0xd1: {  	[spmem:s2] =	stream.indirect.scatter.add.f32 [tilespmem:s17], [sflag:$0x2], $0x80, s19, s14, $0xb8;
	[tilespmem:$0x1C800] =	vst v63  }
0xd2: {  	_ =	swait.ge [sflag:s12], $0x4000  }
0xd3: {  	[sflag:s12] =	ssyncset.done $0x0  }
0xd4: {  	[sflag:s12] =	ssyncadd.s32 $0xFFFFC000  }
0xd5: {  	_ =	swait.ge [sflag:s16], $0x4000  }
0xd6: {  	[sflag:s16] =	ssyncset.done $0x0  }
0xd7: {  	[sflag:s16] =	ssyncadd.s32 $0xFFFFC000  }
0xd8: {  	[tilespmem:s17], [sflag:$0x1] =	stream.indirect.gather [hbm4b:s4+s14], $0x80, s20, s14, $0xb8;
	[tilespmem:$0x1C800] =	vst v63  }
0xd9: {  	_ = 	snop  }
0xda: {  	[spmem:s2] =	stream.indirect.scatter.add.f32 [tilespmem:s15], [sflag:$0x2], $0x80, s21, s14, $0xb8;
	[tilespmem:$0x1C800] =	vst v63  }
0xdb: {  	_ =	swait.ge [sflag:s12], $0x4000  }
0xdc: {  	[sflag:s12] =	ssyncset.done $0x0  }
0xdd: {  	[sflag:s12] =	ssyncadd.s32 $0xFFFFC000  }
0xde: {  	_ =	swait.ge [sflag:s16], $0x4000  }
0xdf: {  	[sflag:s16] =	ssyncset.done $0x0  }
0xe0: {  	[sflag:s16] =	ssyncadd.s32 $0xFFFFC000  }
0xe1: {  	[tilespmem:s15], [sflag:$0x1] =	stream.indirect.gather [hbm4b:s4+s14], $0x80, s22, s14, $0xb8;
	[tilespmem:$0x1C800] =	vst v63  }
0xe2: {  	_ = 	snop  }
0xe3: {  	[spmem:s2] =	stream.indirect.scatter.add.f32 [tilespmem:s17], [sflag:$0x2], $0x80, s23, s14, $0xb8;
	[tilespmem:$0x1C800] =	vst v63  }
0xe4: {  	_ =	swait.ge [sflag:s12], $0x4000  }
0xe5: {  	[sflag:s12] =	ssyncset.done $0x0  }
0xe6: {  	[sflag:s12] =	ssyncadd.s32 $0xFFFFC000  }
0xe7: {  	_ =	swait.ge [sflag:s16], $0x4000  }
0xe8: {  	[sflag:s16] =	ssyncset.done $0x0  }
0xe9: {  	[sflag:s16] =	ssyncadd.s32 $0xFFFFC000  }
0xea: {  	[tilespmem:s17], [sflag:$0x1] =	stream.indirect.gather [hbm4b:s4+s14], $0x80, s24, s14, $0xb8;
	[tilespmem:$0x1C800] =	vst v63  }
0xeb: {  	_ = 	snop  }
0xec: {  	[spmem:s2] =	stream.indirect.scatter.add.f32 [tilespmem:s15], [sflag:$0x2], $0x80, s25, s14, $0xb8;
	[tilespmem:$0x1C800] =	vst v63  }
0xed: {  	_ =	swait.ge [sflag:s12], $0x4000  }
0xee: {  	[sflag:s12] =	ssyncset.done $0x0  }
0xef: {  	[sflag:s12] =	ssyncadd.s32 $0xFFFFC000  }
0xf0: {  	_ =	swait.ge [sflag:s16], $0x4000  }
0xf1: {  	[sflag:s16] =	ssyncset.done $0x0  }
0xf2: {  	[sflag:s16] =	ssyncadd.s32 $0xFFFFC000  }
0xf3: {  	[tilespmem:s15], [sflag:$0x1] =	stream.indirect.gather [hbm4b:s4+s14], $0x80, s26, s14, $0xb8;
	[tilespmem:$0x1C800] =	vst v63  }
0xf4: {  	_ = 	snop  }
0xf5: {  	[spmem:s2] =	stream.indirect.scatter.add.f32 [tilespmem:s17], [sflag:$0x2], $0x80, s28, s14, $0xb8;
	[tilespmem:$0x1C800] =	vst v63  }
0xf6: {  	_ =	swait.ge [sflag:s12], $0x4000  }
0xf7: {  	[sflag:s12] =	ssyncset.done $0x0  }
0xf8: {  	[sflag:s12] =	ssyncadd.s32 $0xFFFFC000  }
0xf9: {  	_ =	swait.ge [sflag:s16], $0x4000  }
0xfa: {  	[sflag:s16] =	ssyncset.done $0x0  }
0xfb: {  	[sflag:s16] =	ssyncadd.s32 $0xFFFFC000  }
0xfc: {  	[tilespmem:s17], [sflag:$0x1] =	stream.indirect.gather [hbm4b:s4+s14], $0x80, s29, s14, $0xb8;
	[tilespmem:$0x1C800] =	vst v63  }
0xfd: {  	_ = 	snop  }
0xfe: {  	[spmem:s2] =	stream.indirect.scatter.add.f32 [tilespmem:s15], [sflag:$0x2], $0x80, s30, s14, $0xb8;
	[tilespmem:$0x1C800] =	vst v63  }
0xff: {  	_ =	swait.ge [sflag:s12], $0x4000  }
0x100: {  	[sflag:s12] =	ssyncset.done $0x0  }
0x101: {  	[sflag:s12] =	ssyncadd.s32 $0xFFFFC000  }
0x102: {  	_ =	swait.ge [sflag:s16], $0x4000  }
0x103: {  	[sflag:s16] =	ssyncset.done $0x0  }
0x104: {  	[sflag:s16] =	ssyncadd.s32 $0xFFFFC000  }
0x105: {  	[spmem:s2] =	stream.indirect.scatter.add.f32 [tilespmem:s17], [sflag:$0x2], $0x80, s31, s14, $0xb8;
	[tilespmem:$0x1C800] =	vst v63  }
0x106: {  	_ =	swait.ge [sflag:s12], $0x4000  }
0x107: {  	[sflag:s12] =	ssyncset.done $0x0  }
0x108: {  	[sflag:s12] =	ssyncadd.s32 $0xFFFFC000  }
0x109: {  	[bflag:$0x0] =	sbarrier.arrive $0xFFFF  }
0x10a: {  	s8 =	rddreg [dreg:$0x4]  }
0x10b: {  	s5 =	rddreg [dreg:$0x6]  }
0x10c: {  	[hbm:s8], [sflag:s11] =	dma.local [spmem:s5], $0x2800  }
0x10d: {  	_ =	swait.ge [sflag:s12], $0x2800  }
0x10e: {  	s6 =	smov.u32 s11;
	s1 =	sadd.s32 $0x1, s1;
	s11 =	rddreg [dreg:$0x5]  }
0x10f: {  	p0 =	sne.s32 s1, s11  }
.Ltmp1:
0x110: {  	_ = 	snop;
	(pc) =	sbr.rel @p0 .LBB2_1-.Ltmp1, $3  }
0x111: {  	_ =	sdelay $0x1  }
0x112: {  	[sflag:s12] =	ssyncset.done $0x0  }
0x113: {  	[sflag:s12] =	ssyncadd.s32 $0xFFFFD800  }
0x114: {  	_ =	sfence.sel $0x180000  }
0x115: {  	[bflag:$0x0] =	sbarrier.arrive $0xFFFF  }
0x116: {  	_ =	strace $0x9000004D  }
0x117: {  	s0 =	stileid.u32;
	[bflag:$0x2] =	sbarrier.arrive $0xFFFF  }
0x118: {  	p0 =	sne.s32 s0, $0x0;
	s0 =	rddreg [dreg:$0x2]  }
0x119: {  	s0 =	sadd.s32 @!p0 $0x100000, s0  }
0x11a: {  	[sflag:s0] =	ssyncadd.tile.s32 @!p0 $0x1;
	_ =	shalt  }
.Lfunc_end2:
_tile_overlayer_lowered:
.L_overlay_start_2:
0x11b: {  	(tag) =	ssettag $0x2  }
0x11c: {  	s0 =	rddreg [dreg:$0x0];
	s2 =	stileid.u32  }
0x11d: {  	s1 =	rddreg [dreg:$0x1];
	p0 =	sne.s32 s2, $0x0  }
0x11e: {  	s3 =	rddreg [dreg:$0x2];
	[bflag:$0x3] =	sbarrier.arrive $0xFFFF;
	s2 =	simm.s32 @!p0 $0x1C02  }
0x11f: {  	[timem:s3], [sflag:s2] =	dma.local @!p0 [hbm:s0], s1  }
0x120: {  	s0 =	simm.s32 @!p0 $0x2  }
0x121: {  	_ =	swait.ge @!p0 [sflag:s0], s1  }
0x122: {  	s1 =	ssub.s32 @!p0 $0x0, s1;
	[sflag:s0] =	ssyncset.done @!p0 $0x0  }
0x123: {  	[sflag:s0] =	ssyncadd.s32 @!p0 s1  }
0x124: {  	[bflag:$0x3] =	sbarrier.arrive $0xFFFF  }
0x125: {  	_ =	shalt  }

</sc_bundles>
